<compile_context>
chip_gen: v7x
topology: tpu7x:2x2x1
jax: 0.10.2.dev20260603
libtpu: 0.0.44.dev20260713+nightly
codegen_flags: <defaults>
</compile_context>

<pallas_src>
import functools

import jax
import jax.numpy as jnp
from jax import lax
from jax.experimental import pallas as pl
from jax.experimental.pallas import tpu as pltpu
from jax.experimental.pallas import tpu_sc as plsc

KB = 64
LN = 128
TB = 8
NW = 32
SL = 16


def _scal(x):
    return jnp.max(x, axis=0) if x.ndim else x


def _tau_body(u_ref, tau_ref, *, rs):
    riota = lax.broadcasted_iota(jnp.int32, (TB, LN), 0)
    lane = lax.broadcasted_iota(jnp.int32, (TB, LN), 1)
    cm = jnp.full((TB, LN), -jnp.inf, jnp.float32)
    for r in range(TB):
        x0 = u_ref[r]
        c = jnp.max(x0, axis=0).reshape(1, LN)
        cm = jnp.where(riota == r, c, cm)

    def body(k, carry):
        cmx, _ = carry
        m8 = jnp.max(cmx, axis=1, keepdims=True)
        am = jnp.min(jnp.where(cmx == m8, lane, jnp.int32(2**30)),
                     axis=1, keepdims=True)
        cmx = jnp.where(lane == am, -jnp.inf, cmx)
        return cmx, m8

    _, tau8 = lax.fori_loop(0, KB, body,
                            (cm, jnp.zeros((TB, 1), jnp.float32)))
    tau_ref[0] = tau8.reshape(1, TB)


def _sc_beam_body(u_hbm, tgt_hbm, tau_hbm, e1_hbm, e2_hbm,
                  vals_hbm, g1_hbm, g2_hbm,
                  row_v, cval_v, cidx_v, tgts_v, taus_v, vals_v, ids_v,
                  g1_v, g2_v, gpad_v, sem, *, v, rpw, d):
    wid = lax.axis_index("s") * 2 + lax.axis_index("c")
    base = wid * rpw
    pltpu.sync_copy(tgt_hbm.at[pl.ds(base, rpw)], tgts_v)
    pltpu.sync_copy(tau_hbm.at[pl.ds(base, rpw)], taus_v)
    iota16 = lax.iota(jnp.int32, SL)
    NINF = jnp.float32(-jnp.inf)
    ninf_v = jnp.full((SL,), NINF)
    zero_i = jnp.zeros((SL,), jnp.int32)
    zero_f = jnp.zeros((SL,), jnp.float32)

    nsub = LN // SL

    def do_row(i, _):
        row = base + i
        pltpu.sync_copy(u_hbm.at[row], row_v)
        bsel = zero_i + i
        tgtv = plsc.load_gather(tgts_v, [bsel])
        tauv = plsc.load_gather(taus_v, [bsel])
        goldv = plsc.load_gather(row_v, [tgtv // LN, tgtv % LN])

        taus = jnp.max(tauv, axis=0)

        def filt(jr, off):
            bm = row_v[jr, pl.ds(0, SL)]
            for js in range(1, nsub):
                bm = jnp.maximum(bm, row_v[jr, pl.ds(js * SL, SL)])
            bms = jnp.max(bm, axis=0)

            def hit(o):
                def sub(js, oo):
                    xv = row_v[jr, pl.ds(js * SL, SL)]
                    iv = jr * LN + js * SL + iota16
                    m = (xv >= tauv) & (iv != tgtv)
                    cnt = _scal(plsc.all_reduce_population_count(m))
                    plsc.store_compressed(cval_v.at[pl.ds(oo, SL)], xv,
                                          mask=m)
                    plsc.store_compressed(cidx_v.at[pl.ds(oo, SL)], iv,
                                          mask=m)
                    return oo + cnt

                return lax.fori_loop(0, nsub, sub, o)

            return lax.cond(bms >= taus, hit, lambda o: o, off)

        c = lax.fori_loop(0, v // LN, filt, jnp.int32(0))
        cval_v[pl.ds(c, SL)] = ninf_v
        c16 = (c + SL - 1) // SL

        a0v = jnp.where(iota16 == 0, goldv, ninf_v)
        a0i = jnp.where(iota16 == 0, tgtv, zero_i)

        def ext(k, carry):
            avs = list(carry[:4])
            ais = list(carry[4:])

            def scan(j, bc):
                best, pos = bc
                cv = cval_v[pl.ds(j * SL, SL)]
                mj = jnp.max(cv, axis=0)
                pj = _scal(plsc.all_reduce_ffs(cv == (zero_f + mj)))
                upd = mj > best
                return (jnp.where(upd, mj, best),
                        jnp.where(upd, j * SL + pj, pos))

            best, pos = lax.fori_loop(0, c16, scan, (NINF, jnp.int32(0)))
            posv = zero_i + pos
            bvv = zero_f + best
            biv = plsc.load_gather(cidx_v, [posv])
            plsc.store_scatter(cval_v, [posv], ninf_v, mask=iota16 == 0)
            km = k % SL
            kd = k // SL
            for j in range(4):
                m = (iota16 == km) & (kd == j)
                avs[j] = jnp.where(m, bvv, avs[j])
                ais[j] = jnp.where(m, biv, ais[j])
            return tuple(avs) + tuple(ais)

        accs = lax.fori_loop(
            1, KB, ext,
            (a0v, ninf_v, ninf_v, ninf_v, a0i, zero_i, zero_i, zero_i))
        for j in range(4):
            vals_v[pl.ds(j * SL, SL)] = accs[j]
            ids_v[pl.ds(j * SL, SL)] = accs[4 + j]
        for ghbm, gv in ((e1_hbm, g1_v), (e2_hbm, g2_v)):
            pltpu.async_copy(ghbm.at[ids_v], gpad_v, sem).wait()

            def compact(kk, _, gv=gv):
                for jj in range(d // SL):
                    gv[kk, pl.ds(jj * SL, SL)] = gpad_v[kk, pl.ds(jj * SL, SL)]
                return 0

            lax.fori_loop(0, KB, compact, 0)
        pltpu.sync_copy(vals_v, vals_hbm.at[row])
        pltpu.sync_copy(g1_v, g1_hbm.at[row])
        pltpu.sync_copy(g2_v, g2_hbm.at[row])
        return 0

    lax.fori_loop(0, rpw, do_row, 0)


def _tail_body(mask_smem, vals_ref, g1_ref, g2_ref, mask_ref, out_ref, *, t):
    b = pl.program_id(0)

    @pl.when(b == 0)
    def _():
        out_ref[0, 0] = 0.0

    v = vals_ref[0]
    mx = jnp.max(v, axis=-1, keepdims=True)
    lse = jnp.log(jnp.sum(jnp.exp(v - mx), axis=-1, keepdims=True)) + mx
    node = (v[:, :1] - lse).reshape(1, t)
    msk = mask_ref[0, 0].reshape(1, t)
    node_sum = jnp.sum(node * msk)
    tsum = jnp.sum(msk)

    s1 = g1_ref[0, :t - 1]
    s2 = g2_ref[0, 1:]
    mm = lax.dot_general(s1, s2, (((2,), (2,)), ((0,), (0,))),
                         preferred_element_type=jnp.float32)
    mf = mm.reshape(t - 1, KB * KB)
    mx2 = jnp.max(mf, axis=-1, keepdims=True)
    lse2 = jnp.log(jnp.sum(jnp.exp(mf - mx2), axis=-1, keepdims=True)) + mx2
    edge = (mf[:, :1] - lse2).reshape(1, t - 1)
    edge_sum = jnp.sum(edge * msk[:, 1:])
    nb = pl.num_programs(0)
    out_ref[0, 0] += -(node_sum + edge_sum) / tsum / nb


def kernel(unaries, masks, targets, E1_weight, E2_weight):
    b, t, v = unaries.shape
    d = E1_weight.shape[-1]
    rs = v // LN
    nrows = b * t
    nprog = nrows // TB
    u3 = unaries.reshape(nrows, rs, LN)

    tau3 = pl.pallas_call(
        functools.partial(_tau_body, rs=rs),
        grid=(nprog,),
        in_specs=[pl.BlockSpec((TB, rs, LN), lambda i: (i, 0, 0))],
        out_specs=pl.BlockSpec((1, 1, TB), lambda i: (i, 0, 0)),
        out_shape=jax.ShapeDtypeStruct((nprog, 1, TB), jnp.float32),
    )(u3)
    tau = tau3.reshape(nrows)

    rpw = nrows // NW
    sc_beam = functools.partial(
        pl.kernel,
        out_type=[
            jax.ShapeDtypeStruct((nrows, KB), jnp.float32),
            jax.ShapeDtypeStruct((nrows, KB, d), jnp.float32),
            jax.ShapeDtypeStruct((nrows, KB, d), jnp.float32),
        ],
        mesh=plsc.VectorSubcoreMesh(core_axis_name="c", subcore_axis_name="s",
                                    num_cores=2, num_subcores=16),
        compiler_params=pltpu.CompilerParams(needs_layout_passes=False),
        scratch_types=[
            pltpu.VMEM((v // LN, LN), jnp.float32),
            pltpu.VMEM((v + SL,), jnp.float32),
            pltpu.VMEM((v + SL,), jnp.int32),
            pltpu.VMEM((rpw,), jnp.int32),
            pltpu.VMEM((rpw,), jnp.float32),
            pltpu.VMEM((KB,), jnp.float32),
            pltpu.VMEM((KB,), jnp.int32),
            pltpu.VMEM((KB, d), jnp.float32),
            pltpu.VMEM((KB, d), jnp.float32),
            pltpu.VMEM((KB, LN), jnp.float32),
            pltpu.SemaphoreType.DMA,
        ],
    )(functools.partial(_sc_beam_body, v=v, rpw=rpw, d=d))
    e1p = jnp.pad(E1_weight, ((0, 0), (0, LN - d)))
    e2p = jnp.pad(E2_weight, ((0, 0), (0, LN - d)))
    vals, g1, g2 = sc_beam(u3, targets.astype(jnp.int32).reshape(nrows), tau,
                           e1p, e2p)

    vals = vals.reshape(b, t, KB)
    g1 = g1.reshape(b, t, KB, d)
    g2 = g2.reshape(b, t, KB, d)

    nll = pl.pallas_call(
        functools.partial(_tail_body, t=t),
        grid=(b,),
        in_specs=[
            pl.BlockSpec(memory_space=pltpu.SMEM),
            pl.BlockSpec((1, t, KB), lambda i: (i, 0, 0)),
            pl.BlockSpec((1, t, KB, d), lambda i: (i, 0, 0, 0)),
            pl.BlockSpec((1, t, KB, d), lambda i: (i, 0, 0, 0)),
            pl.BlockSpec((1, 1, t), lambda i: (i, 0, 0)),
        ],
        out_specs=pl.BlockSpec(memory_space=pltpu.SMEM),
        out_shape=jax.ShapeDtypeStruct((1, 1), jnp.float32),
    )(masks.astype(jnp.int32), vals, g1, g2,
      masks.astype(jnp.float32).reshape(b, 1, t))

    return nll[0, 0]

# --- scband reference (transcript-rebuilt; emitter-appended) ---
"""Pipeline reference for scband-linear-chain-crf-23072564314146 (READ-ONLY COPY).

The authoritative reference and input builder live on the scoring server;
editing this copy changes nothing except your own understanding.
"""

import jax, jax.numpy as jnp
import numpy as np

B, T, V = 8, 128, 32768
K = 64  # beam_size
D = 32  # low_rank


def setup_inputs(seed: int = 0) -> dict:
    key = jax.random.key(seed)
    k1, k2, k3, k4 = jax.random.split(key, 4)
    unaries = jax.random.normal(k1, (B, T, V), dtype=jnp.float32)
    masks = jnp.ones((B, T), dtype=bool)
    targets = jax.random.randint(k2, (B, T), 0, V)
    E1_weight = jax.random.normal(k3, (V, D), dtype=jnp.float32)
    E2_weight = jax.random.normal(k4, (V, D), dtype=jnp.float32)
    return {"unaries": unaries, "masks": masks, "targets": targets,
            "E1_weight": E1_weight, "E2_weight": E2_weight}


def reference(unaries, masks, targets, E1_weight, E2_weight):
    # LinearChainCRF.forward with learning=PIECEWISE, node_features=None
    Bb, Tt, Vv = unaries.shape
    beam = min(K, Vv)
    bidx = jnp.arange(Bb)[:, None]
    tidx = jnp.arange(Tt)[None, :]
    # unaries.scatter(2, targets[:,:,None], inf): force gold label into beam slot 0
    _unaries = unaries.at[bidx, tidx, targets].set(jnp.inf)
    _, beam_targets = jax.lax.top_k(_unaries, beam)  # [B, T, K] indices
    # gather original unary scores at beam indices
    beam_node_phi = jnp.take_along_axis(unaries, beam_targets, axis=2)  # [B, T, K]
    # edge_wise = identity (no node_features)
    edge_wise = jnp.broadcast_to(jnp.eye(D, dtype=unaries.dtype), (Bb, Tt - 1, D, D))
    s1 = jnp.take(E1_weight, beam_targets[:, :-1], axis=0)  # [B, T-1, K, D]
    s2 = jnp.take(E2_weight, beam_targets[:, 1:], axis=0)   # [B, T-1, K, D]
    s1 = jnp.einsum('btkd,btde->btke', s1, edge_wise)
    beam_edge_phi = jnp.einsum('btkd,btld->btkl', s1, s2)   # [B, T-1, K, K]
    # piecewise pseudo-likelihood
    norm_node = jax.nn.log_softmax(beam_node_phi, axis=-1)
    node_gold = jnp.where(masks, norm_node[:, :, 0], 0.0)
    flat = beam_edge_phi.reshape(Bb, Tt - 1, beam * beam)
    norm_edge = jax.nn.log_softmax(flat, axis=-1).reshape(Bb, Tt - 1, beam, beam)
    edge_gold = jnp.where(masks[:, 1:], norm_edge[:, :, 0, 0], 0.0)
    ll = node_gold.sum(-1) + edge_gold.sum(-1)
    nll = -(ll / masks.sum(-1)).mean()
    return nll

if __name__ == "__main__":
    import jax
    _d = setup_inputs()
    print(jax.jit(kernel)(*tuple(_d.values())))

</pallas_src>

<mosaic_0001>
#map = affine_map<(d0, d1) -> (0, 0, 0)>
#map1 = affine_map<(d0, d1) -> (0)>
#map2 = affine_map<(d0, d1) -> (0, 0)>
module attributes {stable_mosaic.version = 14 : i64} {
  func.func @_sc_beam_body(%arg0: i32, %arg1: i32, %arg2: memref<1024x256x128xf32, #tpu.memory_space<hbm>>, %arg3: memref<1024xi32, #tpu.memory_space<hbm>>, %arg4: memref<1024xf32, #tpu.memory_space<hbm>>, %arg5: memref<32768x128xf32, #tpu.memory_space<hbm>>, %arg6: memref<32768x128xf32, #tpu.memory_space<hbm>>, %arg7: memref<1024x64xf32, #tpu.memory_space<hbm>>, %arg8: memref<1024x64x32xf32, #tpu.memory_space<hbm>>, %arg9: memref<1024x64x32xf32, #tpu.memory_space<hbm>>, %arg10: memref<256x128xf32, #tpu.memory_space<vmem>>, %arg11: memref<32784xf32, #tpu.memory_space<vmem>>, %arg12: memref<32784xi32, #tpu.memory_space<vmem>>, %arg13: memref<32xi32, #tpu.memory_space<vmem>>, %arg14: memref<32xf32, #tpu.memory_space<vmem>>, %arg15: memref<64xf32, #tpu.memory_space<vmem>>, %arg16: memref<64xi32, #tpu.memory_space<vmem>>, %arg17: memref<64x32xf32, #tpu.memory_space<vmem>>, %arg18: memref<64x32xf32, #tpu.memory_space<vmem>>, %arg19: memref<64x128xf32, #tpu.memory_space<vmem>>, %arg20: memref<!tpu.dma_semaphore, #tpu.memory_space<semaphore_mem>>) attributes {dimension_semantics = [#tpu.dimension_semantics<core_parallel>, #tpu.dimension_semantics<subcore_parallel>], iteration_bounds = array<i64: 2, 16>, scalar_prefetch = 0 : i64, scratch_operands = 11 : i64, tpu.core_type = #tpu.core_type<sc_vector_subcore>, window_params = [{transform_indices = #map}, {transform_indices = #map1}, {transform_indices = #map1}, {transform_indices = #map2}, {transform_indices = #map2}, {transform_indices = #map2}, {transform_indices = #map}, {transform_indices = #map}]} {
    %mul3A = arith.constant 2 : i32
    %mul3A_0 = arith.muli %arg1, %mul3A : i32
    %add3A = arith.addi %mul3A_0, %arg0 : i32
    %mul3A_1 = arith.constant 32 : i32
    %mul3A_2 = arith.muli %add3A, %mul3A_1 : i32
    "tpu.region"() ({
      %run_scoped3A = tpu.sem_alloc : memref<!tpu.dma_semaphore, #tpu.memory_space<semaphore_mem>>
      %dma_start3A = tpu.memref_slice %arg3[%mul3A_2] : memref<1024xi32, #tpu.memory_space<hbm>> -> memref<32xi32, #tpu.memory_space<hbm>>
      %dma_start3A_15 = tpu.memref_slice %arg3[%mul3A_2] : memref<1024xi32, #tpu.memory_space<hbm>> -> memref<32xi32, #tpu.memory_space<hbm>>
      tpu.enqueue_dma source(%dma_start3A_15 : memref<32xi32, #tpu.memory_space<hbm>>) target(%arg13 : memref<32xi32, #tpu.memory_space<vmem>>) target_semaphore(%run_scoped3A : memref<!tpu.dma_semaphore, #tpu.memory_space<semaphore_mem>>)
      %dma_wait3A = tpu.memref_slice %arg3[%mul3A_2] : memref<1024xi32, #tpu.memory_space<hbm>> -> memref<32xi32, #tpu.memory_space<hbm>>
      %dma_wait3A_16 = tpu.memref_slice %arg3[%mul3A_2] : memref<1024xi32, #tpu.memory_space<hbm>> -> memref<32xi32, #tpu.memory_space<hbm>>
      tpu.wait_dma2 semaphore(%run_scoped3A : memref<!tpu.dma_semaphore, #tpu.memory_space<semaphore_mem>>) src(%dma_wait3A_16 : memref<32xi32, #tpu.memory_space<hbm>>) dst(%arg13 : memref<32xi32, #tpu.memory_space<vmem>>)
      tpu.yield
    }) : () -> ()
    "tpu.region"() ({
      %run_scoped3A = tpu.sem_alloc : memref<!tpu.dma_semaphore, #tpu.memory_space<semaphore_mem>>
      %dma_start3A = tpu.memref_slice %arg4[%mul3A_2] : memref<1024xf32, #tpu.memory_space<hbm>> -> memref<32xf32, #tpu.memory_space<hbm>>
      %dma_start3A_15 = tpu.memref_slice %arg4[%mul3A_2] : memref<1024xf32, #tpu.memory_space<hbm>> -> memref<32xf32, #tpu.memory_space<hbm>>
      tpu.enqueue_dma source(%dma_start3A_15 : memref<32xf32, #tpu.memory_space<hbm>>) target(%arg14 : memref<32xf32, #tpu.memory_space<vmem>>) target_semaphore(%run_scoped3A : memref<!tpu.dma_semaphore, #tpu.memory_space<semaphore_mem>>)
      %dma_wait3A = tpu.memref_slice %arg4[%mul3A_2] : memref<1024xf32, #tpu.memory_space<hbm>> -> memref<32xf32, #tpu.memory_space<hbm>>
      %dma_wait3A_16 = tpu.memref_slice %arg4[%mul3A_2] : memref<1024xf32, #tpu.memory_space<hbm>> -> memref<32xf32, #tpu.memory_space<hbm>>
      tpu.wait_dma2 semaphore(%run_scoped3A : memref<!tpu.dma_semaphore, #tpu.memory_space<semaphore_mem>>) src(%dma_wait3A_16 : memref<32xf32, #tpu.memory_space<hbm>>) dst(%arg14 : memref<32xf32, #tpu.memory_space<vmem>>)
      tpu.yield
    }) : () -> ()
    %iota3A = tpu.iota {dimensions = array<i32: 0>} : vector<16xi32>
    %broadcast_in_dim3A = arith.constant 0xFF800000 : f32
    %broadcast_in_dim3A_3 = vector.broadcast %broadcast_in_dim3A : f32 to vector<16xf32>
    %broadcast_in_dim3A_4 = arith.constant 0 : i32
    %broadcast_in_dim3A_5 = vector.broadcast %broadcast_in_dim3A_4 : i32 to vector<16xi32>
    %broadcast_in_dim3A_6 = arith.constant 0.000000e+00 : f32
    %broadcast_in_dim3A_7 = vector.broadcast %broadcast_in_dim3A_6 : f32 to vector<16xf32>
    %scan3A = arith.constant 0xFF800000 : f32
    %scan3A_8 = arith.constant 0 : i32
    %scan3A_9 = arith.constant 0 : i32
    %scan3A_10 = arith.constant 32 : i32
    %scan3A_11 = arith.addi %scan3A_9, %scan3A_10 : i32
    %scan3A_12 = arith.constant 1 : i32
    %scan3A_13 = scf.for %scan3A_15 = %scan3A_9 to %scan3A_11 step %scan3A_12 iter_args(%scan3A_16 = %scan3A_8) -> (i32)  : i32 {
      %add3A_17 = arith.addi %mul3A_2, %scan3A_15 : i32
      "tpu.region"() ({
        %run_scoped3A = tpu.sem_alloc : memref<!tpu.dma_semaphore, #tpu.memory_space<semaphore_mem>>
        %dma_start3A_159 = arith.constant 0 : i32
        %dma_start3A_160 = arith.constant 0 : i32
        %dma_start3A_161 = tpu.memref_slice %arg2[%add3A_17, %dma_start3A_159, %dma_start3A_160] : memref<1024x256x128xf32, #tpu.memory_space<hbm>> -> memref<1x256x128xf32, #tpu.memory_space<hbm>>
        %dma_start3A_162 = tpu.memref_squeeze %dma_start3A_161 : memref<1x256x128xf32, #tpu.memory_space<hbm>> -> memref<256x128xf32, #tpu.memory_space<hbm>>
        %dma_start3A_163 = arith.constant 0 : i32
        %dma_start3A_164 = arith.constant 0 : i32
        %dma_start3A_165 = tpu.memref_slice %arg2[%add3A_17, %dma_start3A_163, %dma_start3A_164] : memref<1024x256x128xf32, #tpu.memory_space<hbm>> -> memref<1x256x128xf32, #tpu.memory_space<hbm>>
        %dma_start3A_166 = tpu.memref_squeeze %dma_start3A_165 : memref<1x256x128xf32, #tpu.memory_space<hbm>> -> memref<256x128xf32, #tpu.memory_space<hbm>>
        tpu.enqueue_dma source(%dma_start3A_166 : memref<256x128xf32, #tpu.memory_space<hbm>>) target(%arg10 : memref<256x128xf32, #tpu.memory_space<vmem>>) target_semaphore(%run_scoped3A : memref<!tpu.dma_semaphore, #tpu.memory_space<semaphore_mem>>)
        %dma_wait3A_167 = arith.constant 0 : i32
        %dma_wait3A_168 = arith.constant 0 : i32
        %dma_wait3A_169 = tpu.memref_slice %arg2[%add3A_17, %dma_wait3A_167, %dma_wait3A_168] : memref<1024x256x128xf32, #tpu.memory_space<hbm>> -> memref<1x256x128xf32, #tpu.memory_space<hbm>>
        %dma_wait3A_170 = tpu.memref_squeeze %dma_wait3A_169 : memref<1x256x128xf32, #tpu.memory_space<hbm>> -> memref<256x128xf32, #tpu.memory_space<hbm>>
        %dma_wait3A_171 = arith.constant 0 : i32
        %dma_wait3A_172 = arith.constant 0 : i32
        %dma_wait3A_173 = tpu.memref_slice %arg2[%add3A_17, %dma_wait3A_171, %dma_wait3A_172] : memref<1024x256x128xf32, #tpu.memory_space<hbm>> -> memref<1x256x128xf32, #tpu.memory_space<hbm>>
        %dma_wait3A_174 = tpu.memref_squeeze %dma_wait3A_173 : memref<1x256x128xf32, #tpu.memory_space<hbm>> -> memref<256x128xf32, #tpu.memory_space<hbm>>
        tpu.wait_dma2 semaphore(%run_scoped3A : memref<!tpu.dma_semaphore, #tpu.memory_space<semaphore_mem>>) src(%dma_wait3A_174 : memref<256x128xf32, #tpu.memory_space<hbm>>) dst(%arg10 : memref<256x128xf32, #tpu.memory_space<vmem>>)
        tpu.yield
      }) : () -> ()
      %add3A_18 = vector.broadcast %scan3A_15 : i32 to vector<16xi32>
      %add3A_19 = arith.addi %broadcast_in_dim3A_5, %add3A_18 : vector<16xi32>
      %gather3A = tpu.vector_load_idx %arg13[%add3A_19] : memref<32xi32, #tpu.memory_space<vmem>>[vector<16xi32>], vector<16xi32>,
      %gather3A_20 = tpu.vector_load_idx %arg14[%add3A_19] : memref<32xf32, #tpu.memory_space<vmem>>[vector<16xi32>], vector<16xf32>,
      %jit3A = arith.constant 128 : i32
      %div3A = vector.broadcast %jit3A : i32 to vector<16xi32>
      %div3A_21 = arith.divsi %gather3A, %div3A : vector<16xi32>
      %sign3A = arith.constant 0 : i32
      %sign3A_22 = vector.broadcast %sign3A : i32 to vector<16xi32>
      %sign3A_23 = arith.cmpi sgt, %gather3A, %sign3A_22 : vector<16xi32>
      %sign3A_24 = arith.extui %sign3A_23 : vector<16xi1> to vector<16xi32>
      %sign3A_25 = arith.constant 0 : i32
      %sign3A_26 = vector.broadcast %sign3A_25 : i32 to vector<16xi32>
      %sign3A_27 = arith.cmpi slt, %gather3A, %sign3A_26 : vector<16xi32>
      %sign3A_28 = arith.extui %sign3A_27 : vector<16xi1> to vector<16xi32>
      %sign3A_29 = arith.subi %sign3A_24, %sign3A_28 : vector<16xi32>
      %sign3A_30 = arith.constant 0 : i32
      %sign3A_31 = arith.cmpi sgt, %jit3A, %sign3A_30 : i32
      %sign3A_32 = arith.extui %sign3A_31 : i1 to i32
      %sign3A_33 = arith.constant 0 : i32
      %sign3A_34 = arith.cmpi slt, %jit3A, %sign3A_33 : i32
      %sign3A_35 = arith.extui %sign3A_34 : i1 to i32
      %sign3A_36 = arith.subi %sign3A_32, %sign3A_35 : i32
      %ne3A = vector.broadcast %sign3A_36 : i32 to vector<16xi32>
      %ne3A_37 = arith.cmpi ne, %sign3A_29, %ne3A : vector<16xi32>
      %rem3A = vector.broadcast %jit3A : i32 to vector<16xi32>
      %rem3A_38 = arith.remsi %gather3A, %rem3A : vector<16xi32>
      %ne3A_39 = arith.constant 0 : i32
      %ne3A_40 = vector.broadcast %ne3A_39 : i32 to vector<16xi32>
      %ne3A_41 = arith.cmpi ne, %rem3A_38, %ne3A_40 : vector<16xi32>
      %and3A = arith.andi %ne3A_37, %ne3A_41 : vector<16xi1>
      %sub3A = arith.constant 1 : i32
      %sub3A_42 = vector.broadcast %sub3A : i32 to vector<16xi32>
      %sub3A_43 = arith.subi %div3A_21, %sub3A_42 : vector<16xi32>
      %select_n3A = arith.select %and3A, %sub3A_43, %div3A_21 : vector<16xi1>, vector<16xi32>
      %jit3A_44 = arith.constant 128 : i32
      %eq3A = arith.constant 0 : i32
      %eq3A_45 = arith.cmpi eq, %jit3A_44, %eq3A : i32
      %jit3A_46 = arith.constant 1 : i32
      %select_n3A_47 = arith.select %eq3A_45, %jit3A_46, %jit3A_44 : i32
      %rem3A_48 = vector.broadcast %select_n3A_47 : i32 to vector<16xi32>
      %rem3A_49 = arith.remsi %gather3A, %rem3A_48 : vector<16xi32>
      %ne3A_50 = arith.constant 0 : i32
      %ne3A_51 = vector.broadcast %ne3A_50 : i32 to vector<16xi32>
      %ne3A_52 = arith.cmpi ne, %rem3A_49, %ne3A_51 : vector<16xi32>
      %lt3A = arith.constant 0 : i32
      %lt3A_53 = vector.broadcast %lt3A : i32 to vector<16xi32>
      %lt3A_54 = arith.cmpi slt, %rem3A_49, %lt3A_53 : vector<16xi32>
      %lt3A_55 = arith.constant 0 : i32
      %lt3A_56 = arith.cmpi slt, %select_n3A_47, %lt3A_55 : i32
      %ne3A_57 = vector.broadcast %lt3A_56 : i1 to vector<16xi1>
      %ne3A_58 = vector.broadcast %ne3A_57 : vector<16xi1> to vector<16xi1>
      %ne3A_59 = arith.xori %lt3A_54, %ne3A_58 : vector<16xi1>
      %and3A_60 = arith.andi %ne3A_59, %ne3A_52 : vector<16xi1>
      %add3A_61 = vector.broadcast %select_n3A_47 : i32 to vector<16xi32>
      %add3A_62 = arith.addi %rem3A_49, %add3A_61 : vector<16xi32>
      %select_n3A_63 = arith.select %and3A_60, %add3A_62, %rem3A_49 : vector<16xi1>, vector<16xi32>
      %gather3A_64 = tpu.vector_load_idx %arg10[%select_n3A, %select_n3A_63] : memref<256x128xf32, #tpu.memory_space<vmem>>[vector<16xi32>, vector<16xi32>], vector<16xf32>,
      %reduce_max3A = arith.constant true
      %reduce_max3A_65 = vector.broadcast %reduce_max3A : i1 to vector<16xi1>
      %reduce_max3A_66 = tpu.scan <max>, %gather3A_20 masked %reduce_max3A_65 : vector<16xf32>, vector<16xi1> -> vector<16xf32>
      %reduce_max3A_67 = vector.extract %reduce_max3A_66[15] : f32 from vector<16xf32>
      %scan3A_68 = arith.constant 0 : i32
      %scan3A_69 = arith.constant 0 : i32
      %scan3A_70 = arith.constant 256 : i32
      %scan3A_71 = arith.addi %scan3A_69, %scan3A_70 : i32
      %scan3A_72 = arith.constant 1 : i32
      %scan3A_73 = scf.for %scan3A_159 = %scan3A_69 to %scan3A_71 step %scan3A_72 iter_args(%scan3A_160 = %scan3A_68) -> (i32)  : i32 {
        %get3A = arith.index_cast %scan3A_159 : i32 to index
        %get3A_161 = arith.constant 0 : index
        %get3A_162 = tpu.vector_load %arg10[%get3A, %get3A_161] {strides = array<i32>} : memref<256x128xf32, #tpu.memory_space<vmem>>, vector<16xf32>,
        %get3A_163 = arith.index_cast %scan3A_159 : i32 to index
        %get3A_164 = arith.constant 16 : index
        %get3A_165 = tpu.vector_load %arg10[%get3A_163, %get3A_164] {strides = array<i32>} : memref<256x128xf32, #tpu.memory_space<vmem>>, vector<16xf32>,
        %max3A = arith.maximumf %get3A_162, %get3A_165 : vector<16xf32>
        %get3A_166 = arith.index_cast %scan3A_159 : i32 to index
        %get3A_167 = arith.constant 32 : index
        %get3A_168 = tpu.vector_load %arg10[%get3A_166, %get3A_167] {strides = array<i32>} : memref<256x128xf32, #tpu.memory_space<vmem>>, vector<16xf32>,
        %max3A_169 = arith.maximumf %max3A, %get3A_168 : vector<16xf32>
        %get3A_170 = arith.index_cast %scan3A_159 : i32 to index
        %get3A_171 = arith.constant 48 : index
        %get3A_172 = tpu.vector_load %arg10[%get3A_170, %get3A_171] {strides = array<i32>} : memref<256x128xf32, #tpu.memory_space<vmem>>, vector<16xf32>,
        %max3A_173 = arith.maximumf %max3A_169, %get3A_172 : vector<16xf32>
        %get3A_174 = arith.index_cast %scan3A_159 : i32 to index
        %get3A_175 = arith.constant 64 : index
        %get3A_176 = tpu.vector_load %arg10[%get3A_174, %get3A_175] {strides = array<i32>} : memref<256x128xf32, #tpu.memory_space<vmem>>, vector<16xf32>,
        %max3A_177 = arith.maximumf %max3A_173, %get3A_176 : vector<16xf32>
        %get3A_178 = arith.index_cast %scan3A_159 : i32 to index
        %get3A_179 = arith.constant 80 : index
        %get3A_180 = tpu.vector_load %arg10[%get3A_178, %get3A_179] {strides = array<i32>} : memref<256x128xf32, #tpu.memory_space<vmem>>, vector<16xf32>,
        %max3A_181 = arith.maximumf %max3A_177, %get3A_180 : vector<16xf32>
        %get3A_182 = arith.index_cast %scan3A_159 : i32 to index
        %get3A_183 = arith.constant 96 : index
        %get3A_184 = tpu.vector_load %arg10[%get3A_182, %get3A_183] {strides = array<i32>} : memref<256x128xf32, #tpu.memory_space<vmem>>, vector<16xf32>,
        %max3A_185 = arith.maximumf %max3A_181, %get3A_184 : vector<16xf32>
        %get3A_186 = arith.index_cast %scan3A_159 : i32 to index
        %get3A_187 = arith.constant 112 : index
        %get3A_188 = tpu.vector_load %arg10[%get3A_186, %get3A_187] {strides = array<i32>} : memref<256x128xf32, #tpu.memory_space<vmem>>, vector<16xf32>,
        %max3A_189 = arith.maximumf %max3A_185, %get3A_188 : vector<16xf32>
        %reduce_max3A_190 = arith.constant true
        %reduce_max3A_191 = vector.broadcast %reduce_max3A_190 : i1 to vector<16xi1>
        %reduce_max3A_192 = tpu.scan <max>, %max3A_189 masked %reduce_max3A_191 : vector<16xf32>, vector<16xi1> -> vector<16xf32>
        %reduce_max3A_193 = vector.extract %reduce_max3A_192[15] : f32 from vector<16xf32>
        %ge3A = arith.cmpf oge, %reduce_max3A_193, %reduce_max3A_67 : f32
        %convert_element_type3A = arith.extui %ge3A : i1 to i32
        %cond3A = arith.constant 0 : i32
        %cond3A_194 = arith.cmpi ne, %convert_element_type3A, %cond3A : i32
        %cond3A_195 = scf.if %cond3A_194 -> (i32) {
          %scan3A_196 = arith.constant 0 : i32
          %scan3A_197 = arith.constant 8 : i32
          %scan3A_198 = arith.addi %scan3A_196, %scan3A_197 : i32
          %scan3A_199 = arith.constant 1 : i32
          %scan3A_200 = scf.for %scan3A_202 = %scan3A_196 to %scan3A_198 step %scan3A_199 iter_args(%scan3A_203 = %scan3A_160) -> (i32)  : i32 {
            %mul3A_204 = arith.constant 16 : i32
            %mul3A_205 = arith.muli %scan3A_202, %mul3A_204 : i32
            %get3A_206 = arith.index_cast %scan3A_159 : i32 to index
            %get3A_207 = arith.index_cast %mul3A_205 : i32 to index
            %get3A_208 = tpu.vector_load %arg10[%get3A_206, %get3A_207] {strides = array<i32>} : memref<256x128xf32, #tpu.memory_space<vmem>>, vector<16xf32>,
            %mul3A_209 = arith.constant 128 : i32
            %mul3A_210 = arith.muli %scan3A_159, %mul3A_209 : i32
            %mul3A_211 = arith.constant 16 : i32
            %mul3A_212 = arith.muli %scan3A_202, %mul3A_211 : i32
            %add3A_213 = arith.addi %mul3A_210, %mul3A_212 : i32
            %add3A_214 = vector.broadcast %add3A_213 : i32 to vector<16xi32>
            %add3A_215 = arith.addi %add3A_214, %iota3A : vector<16xi32>
            %ge3A_216 = arith.cmpf oge, %get3A_208, %gather3A_20 : vector<16xf32>
            %ne3A_217 = arith.cmpi ne, %add3A_215, %gather3A : vector<16xi32>
            %and3A_218 = arith.andi %ge3A_216, %ne3A_217 : vector<16xi1>
            %all_reduce_population_count3A = tpu.all_reduce %and3A_218 {dim = 0 : i64, kind = #tpu.reduction_kind<sum>} : vector<16xi1> -> vector<16xi32>
            %reduce_max3A_219 = arith.constant true
            %reduce_max3A_220 = vector.broadcast %reduce_max3A_219 : i1 to vector<16xi1>
            %reduce_max3A_221 = arith.constant -2147483648 : i32
            %reduce_max3A_222 = vector.broadcast %reduce_max3A_221 : i32 to vector<16xi32>
            %reduce_max3A_223 = arith.xori %all_reduce_population_count3A, %reduce_max3A_222 : vector<16xi32>
            %reduce_max3A_224 = tpu.scan <max>, %reduce_max3A_223 masked %reduce_max3A_220 : vector<16xi32>, vector<16xi1> -> vector<16xi32>
            %reduce_max3A_225 = arith.xori %reduce_max3A_224, %reduce_max3A_222 : vector<16xi32>
            %reduce_max3A_226 = vector.extract %reduce_max3A_225[15] : i32 from vector<16xi32>
            %swap3A_227 = arith.index_cast %scan3A_203 : i32 to index
            %swap3A_228 = tpu.vector_load %arg11[%swap3A_227] masked %and3A_218 {strides = array<i32>} : memref<32784xf32, #tpu.memory_space<vmem>>, vector<16xf32>, vector<16xi1>
            tpu.vector_store %arg11[%swap3A_227], %get3A_208 masked %and3A_218 {strides = array<i32>} : memref<32784xf32, #tpu.memory_space<vmem>>, vector<16xf32>, vector<16xi1>
            %swap3A_229 = arith.index_cast %scan3A_203 : i32 to index
            %swap3A_230 = tpu.vector_load %arg12[%swap3A_229] masked %and3A_218 {strides = array<i32>} : memref<32784xi32, #tpu.memory_space<vmem>>, vector<16xi32>, vector<16xi1>
            tpu.vector_store %arg12[%swap3A_229], %add3A_215 masked %and3A_218 {strides = array<i32>} : memref<32784xi32, #tpu.memory_space<vmem>>, vector<16xi32>, vector<16xi1>
            %add3A_231 = arith.addi %scan3A_203, %reduce_max3A_226 : i32
            scf.yield %add3A_231 : i32
          }
          %scan3A_201 = arith.constant 8 : i32
          scf.yield %scan3A_200 : i32
        } else {
          scf.yield %scan3A_160 : i32
        }
        scf.yield %cond3A_195 : i32
      }
      %scan3A_74 = arith.constant 256 : i32
      %swap3A = arith.index_cast %scan3A_73 : i32 to index
      %swap3A_75 = tpu.vector_load %arg11[%swap3A] {strides = array<i32>} : memref<32784xf32, #tpu.memory_space<vmem>>, vector<16xf32>,
      tpu.vector_store %arg11[%swap3A], %broadcast_in_dim3A_3 {strides = array<i32>} : memref<32784xf32, #tpu.memory_space<vmem>>, vector<16xf32>,
      %add3A_76 = arith.constant 16 : i32
      %add3A_77 = arith.addi %scan3A_73, %add3A_76 : i32
      %sub3A_78 = arith.constant 1 : i32
      %sub3A_79 = arith.subi %add3A_77, %sub3A_78 : i32
      %jit3A_80 = arith.constant 16 : i32
      %div3A_81 = arith.divsi %sub3A_79, %jit3A_80 : i32
      %sign3A_82 = arith.constant 0 : i32
      %sign3A_83 = arith.cmpi sgt, %sub3A_79, %sign3A_82 : i32
      %sign3A_84 = arith.extui %sign3A_83 : i1 to i32
      %sign3A_85 = arith.constant 0 : i32
      %sign3A_86 = arith.cmpi slt, %sub3A_79, %sign3A_85 : i32
      %sign3A_87 = arith.extui %sign3A_86 : i1 to i32
      %sign3A_88 = arith.subi %sign3A_84, %sign3A_87 : i32
      %sign3A_89 = arith.constant 0 : i32
      %sign3A_90 = arith.cmpi sgt, %jit3A_80, %sign3A_89 : i32
      %sign3A_91 = arith.extui %sign3A_90 : i1 to i32
      %sign3A_92 = arith.constant 0 : i32
      %sign3A_93 = arith.cmpi slt, %jit3A_80, %sign3A_92 : i32
      %sign3A_94 = arith.extui %sign3A_93 : i1 to i32
      %sign3A_95 = arith.subi %sign3A_91, %sign3A_94 : i32
      %ne3A_96 = arith.cmpi ne, %sign3A_88, %sign3A_95 : i32
      %rem3A_97 = arith.remsi %sub3A_79, %jit3A_80 : i32
      %ne3A_98 = arith.constant 0 : i32
      %ne3A_99 = arith.cmpi ne, %rem3A_97, %ne3A_98 : i32
      %and3A_100 = arith.andi %ne3A_96, %ne3A_99 : i1
      %sub3A_101 = arith.constant 1 : i32
      %sub3A_102 = arith.subi %div3A_81, %sub3A_101 : i32
      %select_n3A_103 = arith.select %and3A_100, %sub3A_102, %div3A_81 : i32
      %eq3A_104 = arith.constant 0 : i32
      %eq3A_105 = vector.broadcast %eq3A_104 : i32 to vector<16xi32>
      %eq3A_106 = arith.cmpi eq, %iota3A, %eq3A_105 : vector<16xi32>
      %select_n3A_107 = arith.select %eq3A_106, %gather3A_64, %broadcast_in_dim3A_3 : vector<16xi1>, vector<16xf32>
      %eq3A_108 = arith.constant 0 : i32
      %eq3A_109 = vector.broadcast %eq3A_108 : i32 to vector<16xi32>
      %eq3A_110 = arith.cmpi eq, %iota3A, %eq3A_109 : vector<16xi32>
      %select_n3A_111 = arith.select %eq3A_110, %gather3A, %broadcast_in_dim3A_5 : vector<16xi1>, vector<16xi32>
      %scan3A_112 = arith.constant 1 : i32
      %scan3A_113 = arith.constant 63 : i32
      %scan3A_114 = arith.addi %scan3A_112, %scan3A_113 : i32
      %scan3A_115 = arith.constant 1 : i32
      %scan3A_116:8 = scf.for %scan3A_159 = %scan3A_112 to %scan3A_114 step %scan3A_115 iter_args(%scan3A_160 = %select_n3A_107, %scan3A_161 = %broadcast_in_dim3A_3, %scan3A_162 = %broadcast_in_dim3A_3, %scan3A_163 = %broadcast_in_dim3A_3, %scan3A_164 = %select_n3A_111, %scan3A_165 = %broadcast_in_dim3A_5, %scan3A_166 = %broadcast_in_dim3A_5, %scan3A_167 = %broadcast_in_dim3A_5) -> (vector<16xf32>, vector<16xf32>, vector<16xf32>, vector<16xf32>, vector<16xi32>, vector<16xi32>, vector<16xi32>, vector<16xi32>)  : i32 {
        %while3A = arith.constant 0 : i32
        %while3A_168 = arith.constant 0 : i32
        %while3A_169 = arith.subi %select_n3A_103, %while3A : i32
        %while3A_170 = arith.addi %while3A, %while3A_169 : i32
        %while3A_171 = arith.constant 1 : i32
        %while3A_172 = arith.divsi %while3A_169, %while3A_171 : i32
        %while3A_173 = arith.muli %while3A_172, %while3A_171 : i32
        %while3A_174 = arith.addi %while3A, %while3A_173 : i32
        %while3A_175 = arith.constant 1 : i32
        %while3A_176:2 = scf.for %while3A_259 = %while3A to %while3A_174 step %while3A_175 iter_args(%while3A_260 = %scan3A, %while3A_261 = %while3A_168) -> (f32, i32)  : i32 {
          %mul3A_262 = arith.constant 16 : i32
          %mul3A_263 = arith.muli %while3A_259, %mul3A_262 : i32
          %get3A = arith.index_cast %mul3A_263 : i32 to index
          %get3A_264 = tpu.vector_load %arg11[%get3A] {strides = array<i32>} : memref<32784xf32, #tpu.memory_space<vmem>>, vector<16xf32>,
          %reduce_max3A_265 = arith.constant true
          %reduce_max3A_266 = vector.broadcast %reduce_max3A_265 : i1 to vector<16xi1>
          %reduce_max3A_267 = tpu.scan <max>, %get3A_264 masked %reduce_max3A_266 : vector<16xf32>, vector<16xi1> -> vector<16xf32>
          %reduce_max3A_268 = vector.extract %reduce_max3A_267[15] : f32 from vector<16xf32>
          %add3A_269 = vector.broadcast %reduce_max3A_268 : f32 to vector<16xf32>
          %add3A_270 = arith.addf %broadcast_in_dim3A_7, %add3A_269 : vector<16xf32>
          %eq3A_271 = arith.cmpf oeq, %get3A_264, %add3A_270 : vector<16xf32>
          %all_reduce_ffs3A = tpu.all_reduce %eq3A_271 {dim = 0 : i64, kind = #tpu.reduction_kind<find_first_set>} : vector<16xi1> -> vector<16xi32>
          %reduce_max3A_272 = arith.constant true
          %reduce_max3A_273 = vector.broadcast %reduce_max3A_272 : i1 to vector<16xi1>
          %reduce_max3A_274 = arith.constant -2147483648 : i32
          %reduce_max3A_275 = vector.broadcast %reduce_max3A_274 : i32 to vector<16xi32>
          %reduce_max3A_276 = arith.xori %all_reduce_ffs3A, %reduce_max3A_275 : vector<16xi32>
          %reduce_max3A_277 = tpu.scan <max>, %reduce_max3A_276 masked %reduce_max3A_273 : vector<16xi32>, vector<16xi1> -> vector<16xi32>
          %reduce_max3A_278 = arith.xori %reduce_max3A_277, %reduce_max3A_275 : vector<16xi32>
          %reduce_max3A_279 = vector.extract %reduce_max3A_278[15] : i32 from vector<16xi32>
          %gt3A = arith.cmpf ogt, %reduce_max3A_268, %while3A_260 : f32
          %select_n3A_280 = arith.select %gt3A, %reduce_max3A_268, %while3A_260 : f32
          %mul3A_281 = arith.constant 16 : i32
          %mul3A_282 = arith.muli %while3A_259, %mul3A_281 : i32
          %add3A_283 = arith.addi %mul3A_282, %reduce_max3A_279 : i32
          %select_n3A_284 = arith.select %gt3A, %add3A_283, %while3A_261 : i32
          scf.yield %select_n3A_280, %select_n3A_284 : f32, i32
        }
        %while3A_177 = arith.constant 1 : i32
        %while3A_178:2 = scf.for %while3A_259 = %while3A_174 to %while3A_170 step %while3A_177 iter_args(%while3A_260 = %while3A_176#0, %while3A_261 = %while3A_176#1) -> (f32, i32)  : i32 {
          %mul3A_262 = arith.constant 16 : i32
          %mul3A_263 = arith.muli %while3A_259, %mul3A_262 : i32
          %get3A = arith.index_cast %mul3A_263 : i32 to index
          %get3A_264 = tpu.vector_load %arg11[%get3A] {strides = array<i32>} : memref<32784xf32, #tpu.memory_space<vmem>>, vector<16xf32>,
          %reduce_max3A_265 = arith.constant true
          %reduce_max3A_266 = vector.broadcast %reduce_max3A_265 : i1 to vector<16xi1>
          %reduce_max3A_267 = tpu.scan <max>, %get3A_264 masked %reduce_max3A_266 : vector<16xf32>, vector<16xi1> -> vector<16xf32>
          %reduce_max3A_268 = vector.extract %reduce_max3A_267[15] : f32 from vector<16xf32>
          %add3A_269 = vector.broadcast %reduce_max3A_268 : f32 to vector<16xf32>
          %add3A_270 = arith.addf %broadcast_in_dim3A_7, %add3A_269 : vector<16xf32>
          %eq3A_271 = arith.cmpf oeq, %get3A_264, %add3A_270 : vector<16xf32>
          %all_reduce_ffs3A = tpu.all_reduce %eq3A_271 {dim = 0 : i64, kind = #tpu.reduction_kind<find_first_set>} : vector<16xi1> -> vector<16xi32>
          %reduce_max3A_272 = arith.constant true
          %reduce_max3A_273 = vector.broadcast %reduce_max3A_272 : i1 to vector<16xi1>
          %reduce_max3A_274 = arith.constant -2147483648 : i32
          %reduce_max3A_275 = vector.broadcast %reduce_max3A_274 : i32 to vector<16xi32>
          %reduce_max3A_276 = arith.xori %all_reduce_ffs3A, %reduce_max3A_275 : vector<16xi32>
          %reduce_max3A_277 = tpu.scan <max>, %reduce_max3A_276 masked %reduce_max3A_273 : vector<16xi32>, vector<16xi1> -> vector<16xi32>
          %reduce_max3A_278 = arith.xori %reduce_max3A_277, %reduce_max3A_275 : vector<16xi32>
          %reduce_max3A_279 = vector.extract %reduce_max3A_278[15] : i32 from vector<16xi32>
          %gt3A = arith.cmpf ogt, %reduce_max3A_268, %while3A_260 : f32
          %select_n3A_280 = arith.select %gt3A, %reduce_max3A_268, %while3A_260 : f32
          %mul3A_281 = arith.constant 16 : i32
          %mul3A_282 = arith.muli %while3A_259, %mul3A_281 : i32
          %add3A_283 = arith.addi %mul3A_282, %reduce_max3A_279 : i32
          %select_n3A_284 = arith.select %gt3A, %add3A_283, %while3A_261 : i32
          scf.yield %select_n3A_280, %select_n3A_284 : f32, i32
        }
        %add3A_179 = vector.broadcast %while3A_178#1 : i32 to vector<16xi32>
        %add3A_180 = arith.addi %broadcast_in_dim3A_5, %add3A_179 : vector<16xi32>
        %add3A_181 = vector.broadcast %while3A_178#0 : f32 to vector<16xf32>
        %add3A_182 = arith.addf %broadcast_in_dim3A_7, %add3A_181 : vector<16xf32>
        %gather3A_183 = tpu.vector_load_idx %arg12[%add3A_180] : memref<32784xi32, #tpu.memory_space<vmem>>[vector<16xi32>], vector<16xi32>,
        %eq3A_184 = arith.constant 0 : i32
        %eq3A_185 = vector.broadcast %eq3A_184 : i32 to vector<16xi32>
        %eq3A_186 = arith.cmpi eq, %iota3A, %eq3A_185 : vector<16xi32>
        tpu.vector_store_idx %arg11[%add3A_180], %broadcast_in_dim3A_3 masked %eq3A_186 : memref<32784xf32, #tpu.memory_space<vmem>>[vector<16xi32>], vector<16xf32>, vector<16xi1>
        %jit3A_187 = arith.constant 16 : i32
        %eq3A_188 = arith.constant 0 : i32
        %eq3A_189 = arith.cmpi eq, %jit3A_187, %eq3A_188 : i32
        %jit3A_190 = arith.constant 1 : i32
        %select_n3A_191 = arith.select %eq3A_189, %jit3A_190, %jit3A_187 : i32
        %rem3A_192 = arith.remsi %scan3A_159, %select_n3A_191 : i32
        %ne3A_193 = arith.constant 0 : i32
        %ne3A_194 = arith.cmpi ne, %rem3A_192, %ne3A_193 : i32
        %lt3A_195 = arith.constant 0 : i32
        %lt3A_196 = arith.cmpi slt, %rem3A_192, %lt3A_195 : i32
        %lt3A_197 = arith.constant 0 : i32
        %lt3A_198 = arith.cmpi slt, %select_n3A_191, %lt3A_197 : i32
        %ne3A_199 = arith.xori %lt3A_196, %lt3A_198 : i1
        %and3A_200 = arith.andi %ne3A_199, %ne3A_194 : i1
        %add3A_201 = arith.addi %rem3A_192, %select_n3A_191 : i32
        %select_n3A_202 = arith.select %and3A_200, %add3A_201, %rem3A_192 : i32
        %jit3A_203 = arith.constant 16 : i32
        %div3A_204 = arith.divsi %scan3A_159, %jit3A_203 : i32
        %sign3A_205 = arith.constant 0 : i32
        %sign3A_206 = arith.cmpi sgt, %scan3A_159, %sign3A_205 : i32
        %sign3A_207 = arith.extui %sign3A_206 : i1 to i32
        %sign3A_208 = arith.constant 0 : i32
        %sign3A_209 = arith.cmpi slt, %scan3A_159, %sign3A_208 : i32
        %sign3A_210 = arith.extui %sign3A_209 : i1 to i32
        %sign3A_211 = arith.subi %sign3A_207, %sign3A_210 : i32
        %sign3A_212 = arith.constant 0 : i32
        %sign3A_213 = arith.cmpi sgt, %jit3A_203, %sign3A_212 : i32
        %sign3A_214 = arith.extui %sign3A_213 : i1 to i32
        %sign3A_215 = arith.constant 0 : i32
        %sign3A_216 = arith.cmpi slt, %jit3A_203, %sign3A_215 : i32
        %sign3A_217 = arith.extui %sign3A_216 : i1 to i32
        %sign3A_218 = arith.subi %sign3A_214, %sign3A_217 : i32
        %ne3A_219 = arith.cmpi ne, %sign3A_211, %sign3A_218 : i32
        %rem3A_220 = arith.remsi %scan3A_159, %jit3A_203 : i32
        %ne3A_221 = arith.constant 0 : i32
        %ne3A_222 = arith.cmpi ne, %rem3A_220, %ne3A_221 : i32
        %and3A_223 = arith.andi %ne3A_219, %ne3A_222 : i1
        %sub3A_224 = arith.constant 1 : i32
        %sub3A_225 = arith.subi %div3A_204, %sub3A_224 : i32
        %select_n3A_226 = arith.select %and3A_223, %sub3A_225, %div3A_204 : i32
        %eq3A_227 = vector.broadcast %select_n3A_202 : i32 to vector<16xi32>
        %eq3A_228 = arith.cmpi eq, %iota3A, %eq3A_227 : vector<16xi32>
        %eq3A_229 = arith.constant 0 : i32
        %eq3A_230 = arith.cmpi eq, %select_n3A_226, %eq3A_229 : i32
        %and3A_231 = vector.broadcast %eq3A_230 : i1 to vector<16xi1>
        %and3A_232 = arith.andi %eq3A_228, %and3A_231 : vector<16xi1>
        %select_n3A_233 = arith.select %and3A_232, %add3A_182, %scan3A_160 : vector<16xi1>, vector<16xf32>
        %select_n3A_234 = arith.select %and3A_232, %gather3A_183, %scan3A_164 : vector<16xi1>, vector<16xi32>
        %eq3A_235 = vector.broadcast %select_n3A_202 : i32 to vector<16xi32>
        %eq3A_236 = arith.cmpi eq, %iota3A, %eq3A_235 : vector<16xi32>
        %eq3A_237 = arith.constant 1 : i32
        %eq3A_238 = arith.cmpi eq, %select_n3A_226, %eq3A_237 : i32
        %and3A_239 = vector.broadcast %eq3A_238 : i1 to vector<16xi1>
        %and3A_240 = arith.andi %eq3A_236, %and3A_239 : vector<16xi1>
        %select_n3A_241 = arith.select %and3A_240, %add3A_182, %scan3A_161 : vector<16xi1>, vector<16xf32>
        %select_n3A_242 = arith.select %and3A_240, %gather3A_183, %scan3A_165 : vector<16xi1>, vector<16xi32>
        %eq3A_243 = vector.broadcast %select_n3A_202 : i32 to vector<16xi32>
        %eq3A_244 = arith.cmpi eq, %iota3A, %eq3A_243 : vector<16xi32>
        %eq3A_245 = arith.constant 2 : i32
        %eq3A_246 = arith.cmpi eq, %select_n3A_226, %eq3A_245 : i32
        %and3A_247 = vector.broadcast %eq3A_246 : i1 to vector<16xi1>
        %and3A_248 = arith.andi %eq3A_244, %and3A_247 : vector<16xi1>
        %select_n3A_249 = arith.select %and3A_248, %add3A_182, %scan3A_162 : vector<16xi1>, vector<16xf32>
        %select_n3A_250 = arith.select %and3A_248, %gather3A_183, %scan3A_166 : vector<16xi1>, vector<16xi32>
        %eq3A_251 = vector.broadcast %select_n3A_202 : i32 to vector<16xi32>
        %eq3A_252 = arith.cmpi eq, %iota3A, %eq3A_251 : vector<16xi32>
        %eq3A_253 = arith.constant 3 : i32
        %eq3A_254 = arith.cmpi eq, %select_n3A_226, %eq3A_253 : i32
        %and3A_255 = vector.broadcast %eq3A_254 : i1 to vector<16xi1>
        %and3A_256 = arith.andi %eq3A_252, %and3A_255 : vector<16xi1>
        %select_n3A_257 = arith.select %and3A_256, %add3A_182, %scan3A_163 : vector<16xi1>, vector<16xf32>
        %select_n3A_258 = arith.select %and3A_256, %gather3A_183, %scan3A_167 : vector<16xi1>, vector<16xi32>
        scf.yield %select_n3A_233, %select_n3A_241, %select_n3A_249, %select_n3A_257, %select_n3A_234, %select_n3A_242, %select_n3A_250, %select_n3A_258 : vector<16xf32>, vector<16xf32>, vector<16xf32>, vector<16xf32>, vector<16xi32>, vector<16xi32>, vector<16xi32>, vector<16xi32>
      }
      %scan3A_117 = arith.constant 63 : i32
      %swap3A_118 = arith.constant 0 : index
      %swap3A_119 = tpu.vector_load %arg15[%swap3A_118] {strides = array<i32>} : memref<64xf32, #tpu.memory_space<vmem>>, vector<16xf32>,
      tpu.vector_store %arg15[%swap3A_118], %scan3A_116#0 {strides = array<i32>} : memref<64xf32, #tpu.memory_space<vmem>>, vector<16xf32>,
      %swap3A_120 = arith.constant 0 : index
      %swap3A_121 = tpu.vector_load %arg16[%swap3A_120] {strides = array<i32>} : memref<64xi32, #tpu.memory_space<vmem>>, vector<16xi32>,
      tpu.vector_store %arg16[%swap3A_120], %scan3A_116#4 {strides = array<i32>} : memref<64xi32, #tpu.memory_space<vmem>>, vector<16xi32>,
      %swap3A_122 = arith.constant 16 : index
      %swap3A_123 = tpu.vector_load %arg15[%swap3A_122] {strides = array<i32>} : memref<64xf32, #tpu.memory_space<vmem>>, vector<16xf32>,
      tpu.vector_store %arg15[%swap3A_122], %scan3A_116#1 {strides = array<i32>} : memref<64xf32, #tpu.memory_space<vmem>>, vector<16xf32>,
      %swap3A_124 = arith.constant 16 : index
      %swap3A_125 = tpu.vector_load %arg16[%swap3A_124] {strides = array<i32>} : memref<64xi32, #tpu.memory_space<vmem>>, vector<16xi32>,
      tpu.vector_store %arg16[%swap3A_124], %scan3A_116#5 {strides = array<i32>} : memref<64xi32, #tpu.memory_space<vmem>>, vector<16xi32>,
      %swap3A_126 = arith.constant 32 : index
      %swap3A_127 = tpu.vector_load %arg15[%swap3A_126] {strides = array<i32>} : memref<64xf32, #tpu.memory_space<vmem>>, vector<16xf32>,
      tpu.vector_store %arg15[%swap3A_126], %scan3A_116#2 {strides = array<i32>} : memref<64xf32, #tpu.memory_space<vmem>>, vector<16xf32>,
      %swap3A_128 = arith.constant 32 : index
      %swap3A_129 = tpu.vector_load %arg16[%swap3A_128] {strides = array<i32>} : memref<64xi32, #tpu.memory_space<vmem>>, vector<16xi32>,
      tpu.vector_store %arg16[%swap3A_128], %scan3A_116#6 {strides = array<i32>} : memref<64xi32, #tpu.memory_space<vmem>>, vector<16xi32>,
      %swap3A_130 = arith.constant 48 : index
      %swap3A_131 = tpu.vector_load %arg15[%swap3A_130] {strides = array<i32>} : memref<64xf32, #tpu.memory_space<vmem>>, vector<16xf32>,
      tpu.vector_store %arg15[%swap3A_130], %scan3A_116#3 {strides = array<i32>} : memref<64xf32, #tpu.memory_space<vmem>>, vector<16xf32>,
      %swap3A_132 = arith.constant 48 : index
      %swap3A_133 = tpu.vector_load %arg16[%swap3A_132] {strides = array<i32>} : memref<64xi32, #tpu.memory_space<vmem>>, vector<16xi32>,
      tpu.vector_store %arg16[%swap3A_132], %scan3A_116#7 {strides = array<i32>} : memref<64xi32, #tpu.memory_space<vmem>>, vector<16xi32>,
      %dma_start3A = arith.constant 0 : i32
      %dma_start3A_134 = arith.constant 0 : i32
      %dma_start3A_135 = tpu.memref_slice %arg5[%dma_start3A, %dma_start3A_134] : memref<32768x128xf32, #tpu.memory_space<hbm>> -> memref<32768x128xf32, #tpu.memory_space<hbm>>
      tpu.enqueue_indirect_dma source(%dma_start3A_135 : memref<32768x128xf32, #tpu.memory_space<hbm>>) target(%arg19 : memref<64x128xf32, #tpu.memory_space<vmem>>) offsets(%arg16 : memref<64xi32, #tpu.memory_space<vmem>>) semaphore(%arg20 : memref<!tpu.dma_semaphore, #tpu.memory_space<semaphore_mem>>)
      %dma_wait3A = arith.constant 0 : i32
      %dma_wait3A_136 = arith.constant 0 : i32
      %dma_wait3A_137 = tpu.memref_slice %arg5[%dma_wait3A, %dma_wait3A_136] : memref<32768x128xf32, #tpu.memory_space<hbm>> -> memref<32768x128xf32, #tpu.memory_space<hbm>>
      tpu.wait_indirect_dma semaphore(%arg20 : memref<!tpu.dma_semaphore, #tpu.memory_space<semaphore_mem>>) src(%dma_wait3A_137 : memref<32768x128xf32, #tpu.memory_space<hbm>>) dst(%arg19 : memref<64x128xf32, #tpu.memory_space<vmem>>)
      %scan3A_138 = arith.constant 0 : i32
      %scan3A_139 = arith.constant 0 : i32
      %scan3A_140 = arith.constant 64 : i32
      %scan3A_141 = arith.addi %scan3A_139, %scan3A_140 : i32
      %scan3A_142 = arith.constant 1 : i32
      %scan3A_143 = scf.for %scan3A_159 = %scan3A_139 to %scan3A_141 step %scan3A_142 iter_args(%scan3A_160 = %scan3A_138) -> (i32)  : i32 {
        %get3A = arith.index_cast %scan3A_159 : i32 to index
        %get3A_161 = arith.constant 0 : index
        %get3A_162 = tpu.vector_load %arg19[%get3A, %get3A_161] {strides = array<i32>} : memref<64x128xf32, #tpu.memory_space<vmem>>, vector<16xf32>,
        %swap3A_163 = arith.index_cast %scan3A_159 : i32 to index
        %swap3A_164 = arith.constant 0 : index
        %swap3A_165 = tpu.vector_load %arg17[%swap3A_163, %swap3A_164] {strides = array<i32>} : memref<64x32xf32, #tpu.memory_space<vmem>>, vector<16xf32>,
        tpu.vector_store %arg17[%swap3A_163, %swap3A_164], %get3A_162 {strides = array<i32>} : memref<64x32xf32, #tpu.memory_space<vmem>>, vector<16xf32>,
        %get3A_166 = arith.index_cast %scan3A_159 : i32 to index
        %get3A_167 = arith.constant 16 : index
        %get3A_168 = tpu.vector_load %arg19[%get3A_166, %get3A_167] {strides = array<i32>} : memref<64x128xf32, #tpu.memory_space<vmem>>, vector<16xf32>,
        %swap3A_169 = arith.index_cast %scan3A_159 : i32 to index
        %swap3A_170 = arith.constant 16 : index
        %swap3A_171 = tpu.vector_load %arg17[%swap3A_169, %swap3A_170] {strides = array<i32>} : memref<64x32xf32, #tpu.memory_space<vmem>>, vector<16xf32>,
        tpu.vector_store %arg17[%swap3A_169, %swap3A_170], %get3A_168 {strides = array<i32>} : memref<64x32xf32, #tpu.memory_space<vmem>>, vector<16xf32>,
        %scan3A_172 = arith.constant 0 : i32
        scf.yield %scan3A_172 : i32
      }
      %scan3A_144 = arith.constant 64 : i32
      %dma_start3A_145 = arith.constant 0 : i32
      %dma_start3A_146 = arith.constant 0 : i32
      %dma_start3A_147 = tpu.memref_slice %arg6[%dma_start3A_145, %dma_start3A_146] : memref<32768x128xf32, #tpu.memory_space<hbm>> -> memref<32768x128xf32, #tpu.memory_space<hbm>>
      tpu.enqueue_indirect_dma source(%dma_start3A_147 : memref<32768x128xf32, #tpu.memory_space<hbm>>) target(%arg19 : memref<64x128xf32, #tpu.memory_space<vmem>>) offsets(%arg16 : memref<64xi32, #tpu.memory_space<vmem>>) semaphore(%arg20 : memref<!tpu.dma_semaphore, #tpu.memory_space<semaphore_mem>>)
      %dma_wait3A_148 = arith.constant 0 : i32
      %dma_wait3A_149 = arith.constant 0 : i32
      %dma_wait3A_150 = tpu.memref_slice %arg6[%dma_wait3A_148, %dma_wait3A_149] : memref<32768x128xf32, #tpu.memory_space<hbm>> -> memref<32768x128xf32, #tpu.memory_space<hbm>>
      tpu.wait_indirect_dma semaphore(%arg20 : memref<!tpu.dma_semaphore, #tpu.memory_space<semaphore_mem>>) src(%dma_wait3A_150 : memref<32768x128xf32, #tpu.memory_space<hbm>>) dst(%arg19 : memref<64x128xf32, #tpu.memory_space<vmem>>)
      %scan3A_151 = arith.constant 0 : i32
      %scan3A_152 = arith.constant 0 : i32
      %scan3A_153 = arith.constant 64 : i32
      %scan3A_154 = arith.addi %scan3A_152, %scan3A_153 : i32
      %scan3A_155 = arith.constant 1 : i32
      %scan3A_156 = scf.for %scan3A_159 = %scan3A_152 to %scan3A_154 step %scan3A_155 iter_args(%scan3A_160 = %scan3A_151) -> (i32)  : i32 {
        %get3A = arith.index_cast %scan3A_159 : i32 to index
        %get3A_161 = arith.constant 0 : index
        %get3A_162 = tpu.vector_load %arg19[%get3A, %get3A_161] {strides = array<i32>} : memref<64x128xf32, #tpu.memory_space<vmem>>, vector<16xf32>,
        %swap3A_163 = arith.index_cast %scan3A_159 : i32 to index
        %swap3A_164 = arith.constant 0 : index
        %swap3A_165 = tpu.vector_load %arg18[%swap3A_163, %swap3A_164] {strides = array<i32>} : memref<64x32xf32, #tpu.memory_space<vmem>>, vector<16xf32>,
        tpu.vector_store %arg18[%swap3A_163, %swap3A_164], %get3A_162 {strides = array<i32>} : memref<64x32xf32, #tpu.memory_space<vmem>>, vector<16xf32>,
        %get3A_166 = arith.index_cast %scan3A_159 : i32 to index
        %get3A_167 = arith.constant 16 : index
        %get3A_168 = tpu.vector_load %arg19[%get3A_166, %get3A_167] {strides = array<i32>} : memref<64x128xf32, #tpu.memory_space<vmem>>, vector<16xf32>,
        %swap3A_169 = arith.index_cast %scan3A_159 : i32 to index
        %swap3A_170 = arith.constant 16 : index
        %swap3A_171 = tpu.vector_load %arg18[%swap3A_169, %swap3A_170] {strides = array<i32>} : memref<64x32xf32, #tpu.memory_space<vmem>>, vector<16xf32>,
        tpu.vector_store %arg18[%swap3A_169, %swap3A_170], %get3A_168 {strides = array<i32>} : memref<64x32xf32, #tpu.memory_space<vmem>>, vector<16xf32>,
        %scan3A_172 = arith.constant 0 : i32
        scf.yield %scan3A_172 : i32
      }
      %scan3A_157 = arith.constant 64 : i32
      "tpu.region"() ({
        %run_scoped3A = tpu.sem_alloc : memref<!tpu.dma_semaphore, #tpu.memory_space<semaphore_mem>>
        %dma_start3A_159 = arith.constant 0 : i32
        %dma_start3A_160 = tpu.memref_slice %arg7[%add3A_17, %dma_start3A_159] : memref<1024x64xf32, #tpu.memory_space<hbm>> -> memref<1x64xf32, #tpu.memory_space<hbm>>
        %dma_start3A_161 = tpu.memref_squeeze %dma_start3A_160 : memref<1x64xf32, #tpu.memory_space<hbm>> -> memref<64xf32, #tpu.memory_space<hbm>>
        %dma_start3A_162 = arith.constant 0 : i32
        %dma_start3A_163 = tpu.memref_slice %arg7[%add3A_17, %dma_start3A_162] : memref<1024x64xf32, #tpu.memory_space<hbm>> -> memref<1x64xf32, #tpu.memory_space<hbm>>
        %dma_start3A_164 = tpu.memref_squeeze %dma_start3A_163 : memref<1x64xf32, #tpu.memory_space<hbm>> -> memref<64xf32, #tpu.memory_space<hbm>>
        tpu.enqueue_dma source(%arg15 : memref<64xf32, #tpu.memory_space<vmem>>) target(%dma_start3A_164 : memref<64xf32, #tpu.memory_space<hbm>>) target_semaphore(%run_scoped3A : memref<!tpu.dma_semaphore, #tpu.memory_space<semaphore_mem>>)
        %dma_wait3A_165 = arith.constant 0 : i32
        %dma_wait3A_166 = tpu.memref_slice %arg7[%add3A_17, %dma_wait3A_165] : memref<1024x64xf32, #tpu.memory_space<hbm>> -> memref<1x64xf32, #tpu.memory_space<hbm>>
        %dma_wait3A_167 = tpu.memref_squeeze %dma_wait3A_166 : memref<1x64xf32, #tpu.memory_space<hbm>> -> memref<64xf32, #tpu.memory_space<hbm>>
        %dma_wait3A_168 = arith.constant 0 : i32
        %dma_wait3A_169 = tpu.memref_slice %arg7[%add3A_17, %dma_wait3A_168] : memref<1024x64xf32, #tpu.memory_space<hbm>> -> memref<1x64xf32, #tpu.memory_space<hbm>>
        %dma_wait3A_170 = tpu.memref_squeeze %dma_wait3A_169 : memref<1x64xf32, #tpu.memory_space<hbm>> -> memref<64xf32, #tpu.memory_space<hbm>>
        tpu.wait_dma2 semaphore(%run_scoped3A : memref<!tpu.dma_semaphore, #tpu.memory_space<semaphore_mem>>) src(%arg15 : memref<64xf32, #tpu.memory_space<vmem>>) dst(%dma_wait3A_170 : memref<64xf32, #tpu.memory_space<hbm>>)
        tpu.yield
      }) : () -> ()
      "tpu.region"() ({
        %run_scoped3A = tpu.sem_alloc : memref<!tpu.dma_semaphore, #tpu.memory_space<semaphore_mem>>
        %dma_start3A_159 = arith.constant 0 : i32
        %dma_start3A_160 = arith.constant 0 : i32
        %dma_start3A_161 = tpu.memref_slice %arg8[%add3A_17, %dma_start3A_159, %dma_start3A_160] : memref<1024x64x32xf32, #tpu.memory_space<hbm>> -> memref<1x64x32xf32, #tpu.memory_space<hbm>>
        %dma_start3A_162 = tpu.memref_squeeze %dma_start3A_161 : memref<1x64x32xf32, #tpu.memory_space<hbm>> -> memref<64x32xf32, #tpu.memory_space<hbm>>
        %dma_start3A_163 = arith.constant 0 : i32
        %dma_start3A_164 = arith.constant 0 : i32
        %dma_start3A_165 = tpu.memref_slice %arg8[%add3A_17, %dma_start3A_163, %dma_start3A_164] : memref<1024x64x32xf32, #tpu.memory_space<hbm>> -> memref<1x64x32xf32, #tpu.memory_space<hbm>>
        %dma_start3A_166 = tpu.memref_squeeze %dma_start3A_165 : memref<1x64x32xf32, #tpu.memory_space<hbm>> -> memref<64x32xf32, #tpu.memory_space<hbm>>
        tpu.enqueue_dma source(%arg17 : memref<64x32xf32, #tpu.memory_space<vmem>>) target(%dma_start3A_166 : memref<64x32xf32, #tpu.memory_space<hbm>>) target_semaphore(%run_scoped3A : memref<!tpu.dma_semaphore, #tpu.memory_space<semaphore_mem>>)
        %dma_wait3A_167 = arith.constant 0 : i32
        %dma_wait3A_168 = arith.constant 0 : i32
        %dma_wait3A_169 = tpu.memref_slice %arg8[%add3A_17, %dma_wait3A_167, %dma_wait3A_168] : memref<1024x64x32xf32, #tpu.memory_space<hbm>> -> memref<1x64x32xf32, #tpu.memory_space<hbm>>
        %dma_wait3A_170 = tpu.memref_squeeze %dma_wait3A_169 : memref<1x64x32xf32, #tpu.memory_space<hbm>> -> memref<64x32xf32, #tpu.memory_space<hbm>>
        %dma_wait3A_171 = arith.constant 0 : i32
        %dma_wait3A_172 = arith.constant 0 : i32
        %dma_wait3A_173 = tpu.memref_slice %arg8[%add3A_17, %dma_wait3A_171, %dma_wait3A_172] : memref<1024x64x32xf32, #tpu.memory_space<hbm>> -> memref<1x64x32xf32, #tpu.memory_space<hbm>>
        %dma_wait3A_174 = tpu.memref_squeeze %dma_wait3A_173 : memref<1x64x32xf32, #tpu.memory_space<hbm>> -> memref<64x32xf32, #tpu.memory_space<hbm>>
        tpu.wait_dma2 semaphore(%run_scoped3A : memref<!tpu.dma_semaphore, #tpu.memory_space<semaphore_mem>>) src(%arg17 : memref<64x32xf32, #tpu.memory_space<vmem>>) dst(%dma_wait3A_174 : memref<64x32xf32, #tpu.memory_space<hbm>>)
        tpu.yield
      }) : () -> ()
      "tpu.region"() ({
        %run_scoped3A = tpu.sem_alloc : memref<!tpu.dma_semaphore, #tpu.memory_space<semaphore_mem>>
        %dma_start3A_159 = arith.constant 0 : i32
        %dma_start3A_160 = arith.constant 0 : i32
        %dma_start3A_161 = tpu.memref_slice %arg9[%add3A_17, %dma_start3A_159, %dma_start3A_160] : memref<1024x64x32xf32, #tpu.memory_space<hbm>> -> memref<1x64x32xf32, #tpu.memory_space<hbm>>
        %dma_start3A_162 = tpu.memref_squeeze %dma_start3A_161 : memref<1x64x32xf32, #tpu.memory_space<hbm>> -> memref<64x32xf32, #tpu.memory_space<hbm>>
        %dma_start3A_163 = arith.constant 0 : i32
        %dma_start3A_164 = arith.constant 0 : i32
        %dma_start3A_165 = tpu.memref_slice %arg9[%add3A_17, %dma_start3A_163, %dma_start3A_164] : memref<1024x64x32xf32, #tpu.memory_space<hbm>> -> memref<1x64x32xf32, #tpu.memory_space<hbm>>
        %dma_start3A_166 = tpu.memref_squeeze %dma_start3A_165 : memref<1x64x32xf32, #tpu.memory_space<hbm>> -> memref<64x32xf32, #tpu.memory_space<hbm>>
        tpu.enqueue_dma source(%arg18 : memref<64x32xf32, #tpu.memory_space<vmem>>) target(%dma_start3A_166 : memref<64x32xf32, #tpu.memory_space<hbm>>) target_semaphore(%run_scoped3A : memref<!tpu.dma_semaphore, #tpu.memory_space<semaphore_mem>>)
        %dma_wait3A_167 = arith.constant 0 : i32
        %dma_wait3A_168 = arith.constant 0 : i32
        %dma_wait3A_169 = tpu.memref_slice %arg9[%add3A_17, %dma_wait3A_167, %dma_wait3A_168] : memref<1024x64x32xf32, #tpu.memory_space<hbm>> -> memref<1x64x32xf32, #tpu.memory_space<hbm>>
        %dma_wait3A_170 = tpu.memref_squeeze %dma_wait3A_169 : memref<1x64x32xf32, #tpu.memory_space<hbm>> -> memref<64x32xf32, #tpu.memory_space<hbm>>
        %dma_wait3A_171 = arith.constant 0 : i32
        %dma_wait3A_172 = arith.constant 0 : i32
        %dma_wait3A_173 = tpu.memref_slice %arg9[%add3A_17, %dma_wait3A_171, %dma_wait3A_172] : memref<1024x64x32xf32, #tpu.memory_space<hbm>> -> memref<1x64x32xf32, #tpu.memory_space<hbm>>
        %dma_wait3A_174 = tpu.memref_squeeze %dma_wait3A_173 : memref<1x64x32xf32, #tpu.memory_space<hbm>> -> memref<64x32xf32, #tpu.memory_space<hbm>>
        tpu.wait_dma2 semaphore(%run_scoped3A : memref<!tpu.dma_semaphore, #tpu.memory_space<semaphore_mem>>) src(%arg18 : memref<64x32xf32, #tpu.memory_space<vmem>>) dst(%dma_wait3A_174 : memref<64x32xf32, #tpu.memory_space<hbm>>)
        tpu.yield
      }) : () -> ()
      %scan3A_158 = arith.constant 0 : i32
      scf.yield %scan3A_158 : i32
    }
    %scan3A_14 = arith.constant 32 : i32
    return
  }
}

module attributes {stable_mosaic.version = 14 : i64} {
  func.func @_tau_body(%arg0: i32, %arg1: memref<8x256x128xf32, #tpu.memory_space<vmem>>, %arg2: memref<1x1x8xf32, #tpu.memory_space<vmem>>) attributes {dimension_semantics = [#tpu.dimension_semantics<arbitrary>], iteration_bounds = array<i64: 128>, scalar_prefetch = 0 : i64, scratch_operands = 0 : i64, tpu.core_type = #tpu.core_type<tc>, window_params = [{transform_indices = @transform_0, window_bounds = array<i64: 8, 256, 128>}, {transform_indices = @transform_1, window_bounds = array<i64: 1, 1, 8>}]} {
    %iota3A = tpu.iota {dimensions = array<i32: 0>} : vector<8x128xi32>
    %iota3A_0 = tpu.iota {dimensions = array<i32: 1>} : vector<8x128xi32>
    %broadcast_in_dim3A = arith.constant 0xFF800000 : f32
    %broadcast_in_dim3A_1 = vector.broadcast %broadcast_in_dim3A : f32 to vector<8x128xf32>
    %get3A = arith.constant 0 : index
    %get3A_2 = arith.constant 0 : index
    %get3A_3 = arith.constant 0 : index
    %get3A_4 = vector.load %arg1[%get3A, %get3A_2, %get3A_3] : memref<8x256x128xf32, #tpu.memory_space<vmem>>, vector<1x256x128xf32>
    %get3A_5 = vector.shape_cast %get3A_4 : vector<1x256x128xf32> to vector<256x128xf32>
    %reduce_max3A = arith.constant dense<0xFF800000> : vector<128xf32>
    %reduce_max3A_6 = vector.multi_reduction <maximumf>, %get3A_5, %reduce_max3A [0] : vector<256x128xf32> to vector<128xf32>
    %reshape3A = vector.shape_cast %reduce_max3A_6 : vector<128xf32> to vector<1x128xf32>
    %eq3A = arith.constant 0 : i32
    %eq3A_7 = vector.broadcast %eq3A : i32 to vector<8x128xi32>
    %eq3A_8 = arith.cmpi eq, %iota3A, %eq3A_7 : vector<8x128xi32>
    %broadcast_in_dim3A_9 = vector.shape_cast %reshape3A : vector<1x128xf32> to vector<1x128xf32>
    %broadcast_in_dim3A_10 = vector.broadcast %broadcast_in_dim3A_9 : vector<1x128xf32> to vector<8x128xf32>
    %select_n3A = arith.select %eq3A_8, %broadcast_in_dim3A_10, %broadcast_in_dim3A_1 : vector<8x128xi1>, vector<8x128xf32>
    %get3A_11 = arith.constant 1 : index
    %get3A_12 = arith.constant 0 : index
    %get3A_13 = arith.constant 0 : index
    %get3A_14 = vector.load %arg1[%get3A_11, %get3A_12, %get3A_13] : memref<8x256x128xf32, #tpu.memory_space<vmem>>, vector<1x256x128xf32>
    %get3A_15 = vector.shape_cast %get3A_14 : vector<1x256x128xf32> to vector<256x128xf32>
    %reduce_max3A_16 = arith.constant dense<0xFF800000> : vector<128xf32>
    %reduce_max3A_17 = vector.multi_reduction <maximumf>, %get3A_15, %reduce_max3A_16 [0] : vector<256x128xf32> to vector<128xf32>
    %reshape3A_18 = vector.shape_cast %reduce_max3A_17 : vector<128xf32> to vector<1x128xf32>
    %eq3A_19 = arith.constant 1 : i32
    %eq3A_20 = vector.broadcast %eq3A_19 : i32 to vector<8x128xi32>
    %eq3A_21 = arith.cmpi eq, %iota3A, %eq3A_20 : vector<8x128xi32>
    %broadcast_in_dim3A_22 = vector.shape_cast %reshape3A_18 : vector<1x128xf32> to vector<1x128xf32>
    %broadcast_in_dim3A_23 = vector.broadcast %broadcast_in_dim3A_22 : vector<1x128xf32> to vector<8x128xf32>
    %select_n3A_24 = arith.select %eq3A_21, %broadcast_in_dim3A_23, %select_n3A : vector<8x128xi1>, vector<8x128xf32>
    %get3A_25 = arith.constant 2 : index
    %get3A_26 = arith.constant 0 : index
    %get3A_27 = arith.constant 0 : index
    %get3A_28 = vector.load %arg1[%get3A_25, %get3A_26, %get3A_27] : memref<8x256x128xf32, #tpu.memory_space<vmem>>, vector<1x256x128xf32>
    %get3A_29 = vector.shape_cast %get3A_28 : vector<1x256x128xf32> to vector<256x128xf32>
    %reduce_max3A_30 = arith.constant dense<0xFF800000> : vector<128xf32>
    %reduce_max3A_31 = vector.multi_reduction <maximumf>, %get3A_29, %reduce_max3A_30 [0] : vector<256x128xf32> to vector<128xf32>
    %reshape3A_32 = vector.shape_cast %reduce_max3A_31 : vector<128xf32> to vector<1x128xf32>
    %eq3A_33 = arith.constant 2 : i32
    %eq3A_34 = vector.broadcast %eq3A_33 : i32 to vector<8x128xi32>
    %eq3A_35 = arith.cmpi eq, %iota3A, %eq3A_34 : vector<8x128xi32>
    %broadcast_in_dim3A_36 = vector.shape_cast %reshape3A_32 : vector<1x128xf32> to vector<1x128xf32>
    %broadcast_in_dim3A_37 = vector.broadcast %broadcast_in_dim3A_36 : vector<1x128xf32> to vector<8x128xf32>
    %select_n3A_38 = arith.select %eq3A_35, %broadcast_in_dim3A_37, %select_n3A_24 : vector<8x128xi1>, vector<8x128xf32>
    %get3A_39 = arith.constant 3 : index
    %get3A_40 = arith.constant 0 : index
    %get3A_41 = arith.constant 0 : index
    %get3A_42 = vector.load %arg1[%get3A_39, %get3A_40, %get3A_41] : memref<8x256x128xf32, #tpu.memory_space<vmem>>, vector<1x256x128xf32>
    %get3A_43 = vector.shape_cast %get3A_42 : vector<1x256x128xf32> to vector<256x128xf32>
    %reduce_max3A_44 = arith.constant dense<0xFF800000> : vector<128xf32>
    %reduce_max3A_45 = vector.multi_reduction <maximumf>, %get3A_43, %reduce_max3A_44 [0] : vector<256x128xf32> to vector<128xf32>
    %reshape3A_46 = vector.shape_cast %reduce_max3A_45 : vector<128xf32> to vector<1x128xf32>
    %eq3A_47 = arith.constant 3 : i32
    %eq3A_48 = vector.broadcast %eq3A_47 : i32 to vector<8x128xi32>
    %eq3A_49 = arith.cmpi eq, %iota3A, %eq3A_48 : vector<8x128xi32>
    %broadcast_in_dim3A_50 = vector.shape_cast %reshape3A_46 : vector<1x128xf32> to vector<1x128xf32>
    %broadcast_in_dim3A_51 = vector.broadcast %broadcast_in_dim3A_50 : vector<1x128xf32> to vector<8x128xf32>
    %select_n3A_52 = arith.select %eq3A_49, %broadcast_in_dim3A_51, %select_n3A_38 : vector<8x128xi1>, vector<8x128xf32>
    %get3A_53 = arith.constant 4 : index
    %get3A_54 = arith.constant 0 : index
    %get3A_55 = arith.constant 0 : index
    %get3A_56 = vector.load %arg1[%get3A_53, %get3A_54, %get3A_55] : memref<8x256x128xf32, #tpu.memory_space<vmem>>, vector<1x256x128xf32>
    %get3A_57 = vector.shape_cast %get3A_56 : vector<1x256x128xf32> to vector<256x128xf32>
    %reduce_max3A_58 = arith.constant dense<0xFF800000> : vector<128xf32>
    %reduce_max3A_59 = vector.multi_reduction <maximumf>, %get3A_57, %reduce_max3A_58 [0] : vector<256x128xf32> to vector<128xf32>
    %reshape3A_60 = vector.shape_cast %reduce_max3A_59 : vector<128xf32> to vector<1x128xf32>
    %eq3A_61 = arith.constant 4 : i32
    %eq3A_62 = vector.broadcast %eq3A_61 : i32 to vector<8x128xi32>
    %eq3A_63 = arith.cmpi eq, %iota3A, %eq3A_62 : vector<8x128xi32>
    %broadcast_in_dim3A_64 = vector.shape_cast %reshape3A_60 : vector<1x128xf32> to vector<1x128xf32>
    %broadcast_in_dim3A_65 = vector.broadcast %broadcast_in_dim3A_64 : vector<1x128xf32> to vector<8x128xf32>
    %select_n3A_66 = arith.select %eq3A_63, %broadcast_in_dim3A_65, %select_n3A_52 : vector<8x128xi1>, vector<8x128xf32>
    %get3A_67 = arith.constant 5 : index
    %get3A_68 = arith.constant 0 : index
    %get3A_69 = arith.constant 0 : index
    %get3A_70 = vector.load %arg1[%get3A_67, %get3A_68, %get3A_69] : memref<8x256x128xf32, #tpu.memory_space<vmem>>, vector<1x256x128xf32>
    %get3A_71 = vector.shape_cast %get3A_70 : vector<1x256x128xf32> to vector<256x128xf32>
    %reduce_max3A_72 = arith.constant dense<0xFF800000> : vector<128xf32>
    %reduce_max3A_73 = vector.multi_reduction <maximumf>, %get3A_71, %reduce_max3A_72 [0] : vector<256x128xf32> to vector<128xf32>
    %reshape3A_74 = vector.shape_cast %reduce_max3A_73 : vector<128xf32> to vector<1x128xf32>
    %eq3A_75 = arith.constant 5 : i32
    %eq3A_76 = vector.broadcast %eq3A_75 : i32 to vector<8x128xi32>
    %eq3A_77 = arith.cmpi eq, %iota3A, %eq3A_76 : vector<8x128xi32>
    %broadcast_in_dim3A_78 = vector.shape_cast %reshape3A_74 : vector<1x128xf32> to vector<1x128xf32>
    %broadcast_in_dim3A_79 = vector.broadcast %broadcast_in_dim3A_78 : vector<1x128xf32> to vector<8x128xf32>
    %select_n3A_80 = arith.select %eq3A_77, %broadcast_in_dim3A_79, %select_n3A_66 : vector<8x128xi1>, vector<8x128xf32>
    %get3A_81 = arith.constant 6 : index
    %get3A_82 = arith.constant 0 : index
    %get3A_83 = arith.constant 0 : index
    %get3A_84 = vector.load %arg1[%get3A_81, %get3A_82, %get3A_83] : memref<8x256x128xf32, #tpu.memory_space<vmem>>, vector<1x256x128xf32>
    %get3A_85 = vector.shape_cast %get3A_84 : vector<1x256x128xf32> to vector<256x128xf32>
    %reduce_max3A_86 = arith.constant dense<0xFF800000> : vector<128xf32>
    %reduce_max3A_87 = vector.multi_reduction <maximumf>, %get3A_85, %reduce_max3A_86 [0] : vector<256x128xf32> to vector<128xf32>
    %reshape3A_88 = vector.shape_cast %reduce_max3A_87 : vector<128xf32> to vector<1x128xf32>
    %eq3A_89 = arith.constant 6 : i32
    %eq3A_90 = vector.broadcast %eq3A_89 : i32 to vector<8x128xi32>
    %eq3A_91 = arith.cmpi eq, %iota3A, %eq3A_90 : vector<8x128xi32>
    %broadcast_in_dim3A_92 = vector.shape_cast %reshape3A_88 : vector<1x128xf32> to vector<1x128xf32>
    %broadcast_in_dim3A_93 = vector.broadcast %broadcast_in_dim3A_92 : vector<1x128xf32> to vector<8x128xf32>
    %select_n3A_94 = arith.select %eq3A_91, %broadcast_in_dim3A_93, %select_n3A_80 : vector<8x128xi1>, vector<8x128xf32>
    %get3A_95 = arith.constant 7 : index
    %get3A_96 = arith.constant 0 : index
    %get3A_97 = arith.constant 0 : index
    %get3A_98 = vector.load %arg1[%get3A_95, %get3A_96, %get3A_97] : memref<8x256x128xf32, #tpu.memory_space<vmem>>, vector<1x256x128xf32>
    %get3A_99 = vector.shape_cast %get3A_98 : vector<1x256x128xf32> to vector<256x128xf32>
    %reduce_max3A_100 = arith.constant dense<0xFF800000> : vector<128xf32>
    %reduce_max3A_101 = vector.multi_reduction <maximumf>, %get3A_99, %reduce_max3A_100 [0] : vector<256x128xf32> to vector<128xf32>
    %reshape3A_102 = vector.shape_cast %reduce_max3A_101 : vector<128xf32> to vector<1x128xf32>
    %eq3A_103 = arith.constant 7 : i32
    %eq3A_104 = vector.broadcast %eq3A_103 : i32 to vector<8x128xi32>
    %eq3A_105 = arith.cmpi eq, %iota3A, %eq3A_104 : vector<8x128xi32>
    %broadcast_in_dim3A_106 = vector.shape_cast %reshape3A_102 : vector<1x128xf32> to vector<1x128xf32>
    %broadcast_in_dim3A_107 = vector.broadcast %broadcast_in_dim3A_106 : vector<1x128xf32> to vector<8x128xf32>
    %select_n3A_108 = arith.select %eq3A_105, %broadcast_in_dim3A_107, %select_n3A_94 : vector<8x128xi1>, vector<8x128xf32>
    %broadcast_in_dim3A_109 = arith.constant 0.000000e+00 : f32
    %broadcast_in_dim3A_110 = vector.broadcast %broadcast_in_dim3A_109 : f32 to vector<8x1xf32>
    %scan3A = arith.constant 0 : i32
    %scan3A_111 = arith.constant 64 : i32
    %scan3A_112 = arith.addi %scan3A, %scan3A_111 : i32
    %scan3A_113 = arith.constant 1 : i32
    %scan3A_114:2 = scf.for %scan3A_121 = %scan3A to %scan3A_112 step %scan3A_113 iter_args(%scan3A_122 = %select_n3A_108, %scan3A_123 = %broadcast_in_dim3A_110) -> (vector<8x128xf32>, vector<8x1xf32>)  : i32 {
      %reduce_max3A_124 = arith.constant dense<0xFF800000> : vector<8xf32>
      %reduce_max3A_125 = vector.multi_reduction <maximumf>, %scan3A_122, %reduce_max3A_124 [1] : vector<8x128xf32> to vector<8xf32>
      %broadcast_in_dim3A_126 = vector.shape_cast %reduce_max3A_125 : vector<8xf32> to vector<8x1xf32>
      %eq3A_127 = vector.broadcast %broadcast_in_dim3A_126 : vector<8x1xf32> to vector<8x128xf32>
      %eq3A_128 = arith.cmpf oeq, %scan3A_122, %eq3A_127 : vector<8x128xf32>
      %jit3A = arith.constant 1073741824 : i32
      %broadcast_in_dim3A_129 = vector.broadcast %jit3A : i32 to vector<8x128xi32>
      %select_n3A_130 = arith.select %eq3A_128, %iota3A_0, %broadcast_in_dim3A_129 : vector<8x128xi1>, vector<8x128xi32>
      %reduce_min3A = arith.constant dense<2147483647> : vector<8xi32>
      %reduce_min3A_131 = vector.multi_reduction <minsi>, %select_n3A_130, %reduce_min3A [1] : vector<8x128xi32> to vector<8xi32>
      %broadcast_in_dim3A_132 = vector.shape_cast %reduce_min3A_131 : vector<8xi32> to vector<8x1xi32>
      %eq3A_133 = vector.broadcast %broadcast_in_dim3A_132 : vector<8x1xi32> to vector<8x128xi32>
      %eq3A_134 = arith.cmpi eq, %iota3A_0, %eq3A_133 : vector<8x128xi32>
      %jit3A_135 = arith.constant 0xFF800000 : f32
      %broadcast_in_dim3A_136 = vector.broadcast %jit3A_135 : f32 to vector<8x128xf32>
      %select_n3A_137 = arith.select %eq3A_134, %broadcast_in_dim3A_136, %scan3A_122 : vector<8x128xi1>, vector<8x128xf32>
      scf.yield %select_n3A_137, %broadcast_in_dim3A_126 : vector<8x128xf32>, vector<8x1xf32>
    }
    %reshape3A_115 = vector.shape_cast %scan3A_114#1 : vector<8x1xf32> to vector<1x8xf32>
    %swap3A = arith.constant 0 : index
    %swap3A_116 = arith.constant 0 : index
    %swap3A_117 = arith.constant 0 : index
    %swap3A_118 = vector.load %arg2[%swap3A, %swap3A_116, %swap3A_117] : memref<1x1x8xf32, #tpu.memory_space<vmem>>, vector<1x1x8xf32>
    %swap3A_119 = vector.shape_cast %swap3A_118 : vector<1x1x8xf32> to vector<1x8xf32>
    %swap3A_120 = vector.shape_cast %reshape3A_115 : vector<1x8xf32> to vector<1x1x8xf32>
    tpu.vector_store %arg2[%swap3A, %swap3A_116, %swap3A_117], %swap3A_120 {strides = array<i32>} : memref<1x1x8xf32, #tpu.memory_space<vmem>>, vector<1x1x8xf32>,
    return
  }
  func.func @transform_0(%arg0: i32) -> (i32, i32, i32) {
    %c0_i32 = arith.constant 0 : i32
    %c0_i32_0 = arith.constant 0 : i32
    %c0_i32_1 = arith.constant 0 : i32
    return %arg0, %c0_i32, %c0_i32_0 : i32, i32, i32
  }
  func.func @transform_1(%arg0: i32) -> (i32, i32, i32) {
    %c0_i32 = arith.constant 0 : i32
    %c0_i32_0 = arith.constant 0 : i32
    %c0_i32_1 = arith.constant 0 : i32
    return %arg0, %c0_i32, %c0_i32_0 : i32, i32, i32
  }
}

module attributes {stable_mosaic.version = 14 : i64} {
  func.func @_tail_body(%arg0: i32, %arg1: memref<8x128xi32, #tpu.memory_space<smem>>, %arg2: memref<1x128x64xf32, #tpu.memory_space<vmem>>, %arg3: memref<1x128x64x32xf32, #tpu.memory_space<vmem>>, %arg4: memref<1x128x64x32xf32, #tpu.memory_space<vmem>>, %arg5: memref<1x1x128xf32, #tpu.memory_space<vmem>>, %arg6: memref<1x1xf32, #tpu.memory_space<smem>>) attributes {dimension_semantics = [#tpu.dimension_semantics<arbitrary>], iteration_bounds = array<i64: 8>, scalar_prefetch = 0 : i64, scratch_operands = 0 : i64, tpu.core_type = #tpu.core_type<tc>, window_params = [{transform_indices = @transform_0, window_bounds = array<i64: 8, 128>}, {transform_indices = @transform_1, window_bounds = array<i64: 1, 128, 64>}, {transform_indices = @transform_2, window_bounds = array<i64: 1, 128, 64, 32>}, {transform_indices = @transform_3, window_bounds = array<i64: 1, 128, 64, 32>}, {transform_indices = @transform_4, window_bounds = array<i64: 1, 1, 128>}, {transform_indices = @transform_5, window_bounds = array<i64: 1, 1>}]} {
    %eq3A = arith.constant 0 : i32
    %eq3A_0 = arith.cmpi eq, %arg0, %eq3A : i32
    %convert_element_type3A = arith.extui %eq3A_0 : i1 to i32
    %cond3A = arith.constant 0 : i32
    %cond3A_1 = arith.cmpi ne, %convert_element_type3A, %cond3A : i32
    scf.if %cond3A_1 {
      %swap3A_72 = arith.constant 0.000000e+00 : f32
      %swap3A_73 = arith.constant 0 : index
      %swap3A_74 = arith.constant 0 : index
      %swap3A_75 = memref.load %arg6[%swap3A_73, %swap3A_74] : memref<1x1xf32, #tpu.memory_space<smem>>
      memref.store %swap3A_72, %arg6[%swap3A_73, %swap3A_74] : memref<1x1xf32, #tpu.memory_space<smem>>
    } else {
    }
    %get3A = arith.constant 0 : index
    %get3A_2 = arith.constant 0 : index
    %get3A_3 = arith.constant 0 : index
    %get3A_4 = vector.load %arg2[%get3A, %get3A_2, %get3A_3] : memref<1x128x64xf32, #tpu.memory_space<vmem>>, vector<1x128x64xf32>
    %get3A_5 = vector.shape_cast %get3A_4 : vector<1x128x64xf32> to vector<128x64xf32>
    %reduce_max3A = arith.constant dense<0xFF800000> : vector<128xf32>
    %reduce_max3A_6 = vector.multi_reduction <maximumf>, %get3A_5, %reduce_max3A [1] : vector<128x64xf32> to vector<128xf32>
    %broadcast_in_dim3A = vector.shape_cast %reduce_max3A_6 : vector<128xf32> to vector<128x1xf32>
    %sub3A = vector.broadcast %broadcast_in_dim3A : vector<128x1xf32> to vector<128x64xf32>
    %sub3A_7 = arith.subf %get3A_5, %sub3A : vector<128x64xf32>
    %exp3A = math.exp %sub3A_7 : vector<128x64xf32>
    %reduce_sum3A = arith.constant dense<0.000000e+00> : vector<128xf32>
    %reduce_sum3A_8 = vector.multi_reduction <add>, %exp3A, %reduce_sum3A [1] : vector<128x64xf32> to vector<128xf32>
    %broadcast_in_dim3A_9 = vector.shape_cast %reduce_sum3A_8 : vector<128xf32> to vector<128x1xf32>
    %log3A = math.log %broadcast_in_dim3A_9 : vector<128x1xf32>
    %add3A = arith.addf %log3A, %broadcast_in_dim3A : vector<128x1xf32>
    %slice3A = vector.extract_strided_slice %get3A_5 {offsets = [0, 0], sizes = [128, 1], strides = [1, 1]} : vector<128x64xf32> to vector<128x1xf32>
    %sub3A_10 = arith.subf %slice3A, %add3A : vector<128x1xf32>
    %reshape3A = vector.shape_cast %sub3A_10 : vector<128x1xf32> to vector<1x128xf32>
    %get3A_11 = arith.constant 0 : index
    %get3A_12 = arith.constant 0 : index
    %get3A_13 = arith.constant 0 : index
    %get3A_14 = vector.load %arg5[%get3A_11, %get3A_12, %get3A_13] : memref<1x1x128xf32, #tpu.memory_space<vmem>>, vector<1x1x128xf32>
    %get3A_15 = vector.shape_cast %get3A_14 : vector<1x1x128xf32> to vector<128xf32>
    %reshape3A_16 = vector.shape_cast %get3A_15 : vector<128xf32> to vector<1x128xf32>
    %mul3A = arith.mulf %reshape3A, %reshape3A_16 : vector<1x128xf32>
    %reduce_sum3A_17 = vector.shape_cast %mul3A : vector<1x128xf32> to vector<1x1x128xf32>
    %reduce_sum3A_18 = arith.constant dense<0.000000e+00> : vector<1xf32>
    %reduce_sum3A_19 = vector.multi_reduction <add>, %reduce_sum3A_17, %reduce_sum3A_18 [1, 2] : vector<1x1x128xf32> to vector<1xf32>
    %reduce_sum3A_20 = vector.shape_cast %reduce_sum3A_19 : vector<1xf32> to vector<1x1x1xf32>
    %reduce_sum3A_21 = vector.extract %reduce_sum3A_20[0, 0, 0] : f32 from vector<1x1x1xf32>
    %reduce_sum3A_22 = vector.shape_cast %reshape3A_16 : vector<1x128xf32> to vector<1x1x128xf32>
    %reduce_sum3A_23 = arith.constant dense<0.000000e+00> : vector<1xf32>
    %reduce_sum3A_24 = vector.multi_reduction <add>, %reduce_sum3A_22, %reduce_sum3A_23 [1, 2] : vector<1x1x128xf32> to vector<1xf32>
    %reduce_sum3A_25 = vector.shape_cast %reduce_sum3A_24 : vector<1xf32> to vector<1x1x1xf32>
    %reduce_sum3A_26 = vector.extract %reduce_sum3A_25[0, 0, 0] : f32 from vector<1x1x1xf32>
    %get3A_27 = arith.constant 0 : index
    %get3A_28 = arith.constant 0 : index
    %get3A_29 = arith.constant 0 : index
    %get3A_30 = arith.constant 0 : index
    %get3A_31 = vector.load %arg3[%get3A_27, %get3A_28, %get3A_29, %get3A_30] : memref<1x128x64x32xf32, #tpu.memory_space<vmem>>, vector<1x127x64x32xf32>
    %get3A_32 = vector.shape_cast %get3A_31 : vector<1x127x64x32xf32> to vector<127x64x32xf32>
    %get3A_33 = arith.constant 0 : index
    %get3A_34 = arith.constant 1 : index
    %get3A_35 = arith.constant 0 : index
    %get3A_36 = arith.constant 0 : index
    %get3A_37 = vector.load %arg4[%get3A_33, %get3A_34, %get3A_35, %get3A_36] : memref<1x128x64x32xf32, #tpu.memory_space<vmem>>, vector<1x127x64x32xf32>
    %get3A_38 = vector.shape_cast %get3A_37 : vector<1x127x64x32xf32> to vector<127x64x32xf32>
    %dot_general3A = arith.constant dense<0.000000e+00> : vector<127x64x64xf32>
    %dot_general3A_39 = tpu.matmul %get3A_32, %get3A_38, %dot_general3A {dimension_numbers = #tpu.dot_dimension_numbers<[2], [2], [1], [1], [0, 0, 0, 1, 1, 1], [0], [0]>, transpose_lhs_hint = false} : vector<127x64x32xf32>, vector<127x64x32xf32>, vector<127x64x64xf32> -> vector<127x64x64xf32>
    %reshape3A_40 = vector.shape_cast %dot_general3A_39 : vector<127x64x64xf32> to vector<127x4096xf32>
    %reduce_max3A_41 = arith.constant dense<0xFF800000> : vector<127xf32>
    %reduce_max3A_42 = vector.multi_reduction <maximumf>, %reshape3A_40, %reduce_max3A_41 [1] : vector<127x4096xf32> to vector<127xf32>
    %broadcast_in_dim3A_43 = vector.shape_cast %reduce_max3A_42 : vector<127xf32> to vector<127x1xf32>
    %sub3A_44 = vector.broadcast %broadcast_in_dim3A_43 : vector<127x1xf32> to vector<127x4096xf32>
    %sub3A_45 = arith.subf %reshape3A_40, %sub3A_44 : vector<127x4096xf32>
    %exp3A_46 = math.exp %sub3A_45 : vector<127x4096xf32>
    %reduce_sum3A_47 = arith.constant dense<0.000000e+00> : vector<127xf32>
    %reduce_sum3A_48 = vector.multi_reduction <add>, %exp3A_46, %reduce_sum3A_47 [1] : vector<127x4096xf32> to vector<127xf32>
    %broadcast_in_dim3A_49 = vector.shape_cast %reduce_sum3A_48 : vector<127xf32> to vector<127x1xf32>
    %log3A_50 = math.log %broadcast_in_dim3A_49 : vector<127x1xf32>
    %add3A_51 = arith.addf %log3A_50, %broadcast_in_dim3A_43 : vector<127x1xf32>
    %slice3A_52 = vector.extract_strided_slice %reshape3A_40 {offsets = [0, 0], sizes = [127, 1], strides = [1, 1]} : vector<127x4096xf32> to vector<127x1xf32>
    %sub3A_53 = arith.subf %slice3A_52, %add3A_51 : vector<127x1xf32>
    %reshape3A_54 = vector.shape_cast %sub3A_53 : vector<127x1xf32> to vector<1x127xf32>
    %slice3A_55 = vector.extract_strided_slice %reshape3A_16 {offsets = [0, 1], sizes = [1, 127], strides = [1, 1]} : vector<1x128xf32> to vector<1x127xf32>
    %mul3A_56 = arith.mulf %reshape3A_54, %slice3A_55 : vector<1x127xf32>
    %reduce_sum3A_57 = vector.shape_cast %mul3A_56 : vector<1x127xf32> to vector<1x1x127xf32>
    %reduce_sum3A_58 = arith.constant dense<0.000000e+00> : vector<1xf32>
    %reduce_sum3A_59 = vector.multi_reduction <add>, %reduce_sum3A_57, %reduce_sum3A_58 [1, 2] : vector<1x1x127xf32> to vector<1xf32>
    %reduce_sum3A_60 = vector.shape_cast %reduce_sum3A_59 : vector<1xf32> to vector<1x1x1xf32>
    %reduce_sum3A_61 = vector.extract %reduce_sum3A_60[0, 0, 0] : f32 from vector<1x1x1xf32>
    %get3A_62 = arith.constant 0 : index
    %get3A_63 = arith.constant 0 : index
    %get3A_64 = memref.load %arg6[%get3A_62, %get3A_63] : memref<1x1xf32, #tpu.memory_space<smem>>
    %add3A_65 = arith.addf %reduce_sum3A_21, %reduce_sum3A_61 : f32
    %neg3A = arith.constant 0.000000e+00 : f32
    %neg3A_66 = arith.subf %neg3A, %add3A_65 : f32
    %div3A = arith.divf %neg3A_66, %reduce_sum3A_26 : f32
    %div3A_67 = arith.constant 8.000000e+00 : f32
    %div3A_68 = arith.divf %div3A, %div3A_67 : f32
    %add3A_69 = arith.addf %get3A_64, %div3A_68 : f32
    %swap3A = arith.constant 0 : index
    %swap3A_70 = arith.constant 0 : index
    %swap3A_71 = memref.load %arg6[%swap3A, %swap3A_70] : memref<1x1xf32, #tpu.memory_space<smem>>
    memref.store %add3A_69, %arg6[%swap3A, %swap3A_70] : memref<1x1xf32, #tpu.memory_space<smem>>
    return
  }
  func.func @transform_0(%arg0: i32) -> (i32, i32) {
    %c0_i32 = arith.constant 0 : i32
    %c0_i32_0 = arith.constant 0 : i32
    %c0_i32_1 = arith.constant 0 : i32
    return %c0_i32, %c0_i32_0 : i32, i32
  }
  func.func @transform_1(%arg0: i32) -> (i32, i32, i32) {
    %c0_i32 = arith.constant 0 : i32
    %c0_i32_0 = arith.constant 0 : i32
    %c0_i32_1 = arith.constant 0 : i32
    return %arg0, %c0_i32, %c0_i32_0 : i32, i32, i32
  }
  func.func @transform_2(%arg0: i32) -> (i32, i32, i32, i32) {
    %c0_i32 = arith.constant 0 : i32
    %c0_i32_0 = arith.constant 0 : i32
    %c0_i32_1 = arith.constant 0 : i32
    %c0_i32_2 = arith.constant 0 : i32
    return %arg0, %c0_i32, %c0_i32_0, %c0_i32_1 : i32, i32, i32, i32
  }
  func.func @transform_3(%arg0: i32) -> (i32, i32, i32, i32) {
    %c0_i32 = arith.constant 0 : i32
    %c0_i32_0 = arith.constant 0 : i32
    %c0_i32_1 = arith.constant 0 : i32
    %c0_i32_2 = arith.constant 0 : i32
    return %arg0, %c0_i32, %c0_i32_0, %c0_i32_1 : i32, i32, i32, i32
  }
  func.func @transform_4(%arg0: i32) -> (i32, i32, i32) {
    %c0_i32 = arith.constant 0 : i32
    %c0_i32_0 = arith.constant 0 : i32
    %c0_i32_1 = arith.constant 0 : i32
    return %arg0, %c0_i32, %c0_i32_0 : i32, i32, i32
  }
  func.func @transform_5(%arg0: i32) -> (i32, i32) {
    %c0_i32 = arith.constant 0 : i32
    %c0_i32_0 = arith.constant 0 : i32
    %c0_i32_1 = arith.constant 0 : i32
    return %c0_i32, %c0_i32_0 : i32, i32
  }
}

</mosaic_0001>

<sc_bundles>
// kernel: kernel.5.cloned.1.call-start
scs
__scs_entry_jumppad:
0x0: {  	(pc) =	sbr.rel $0x88, $3  }
0x1: {  	(tag) =	ssettag $0x0;
	lr =	simm.s32 $0x1  }
0x2: {  	[smem:$0x3F9C] =	sst lr;
	_ =	strace $0xD0000000  }
0x3: {  	_ = 	snop  }
0x4: {  	_ = 	snop  }
0x5: {  	_ = 	snop  }
0x6: {  	_ = 	snop  }
0x7: {  	_ = 	snop  }
__scs_overlays_trampoline_lowered:
0x8: {  	[smem:$0x3FAB] =	sst s0  }
0x9: {  	[smem:$0x3FAC] =	sst s1  }
0xa: {  	[smem:$0x3FAD] =	sst s2  }
0xb: {  	[smem:$0x3FAE] =	sst s3  }
0xc: {  	[smem:$0x3FAF] =	sst s4  }
0xd: {  	[smem:$0x3FB0] =	sst s5  }
0xe: {  	[smem:$0x3FB1] =	sst s6  }
0xf: {  	[smem:$0x3FB2] =	sst s7  }
0x10: {  	[smem:$0x3FB3] =	sst s8  }
0x11: {  	[smem:$0x3FB4] =	sst s9;
	s0 =	simm.s32 @!p0 $0x0  }
0x12: {  	s1 =	sld [smem:$0x3F9A];
	s0 =	simm.s32 @p0 $0x1  }
0x13: {  	[smem:$0x3FB5] =	sst s0;
	s0 =	simm.s32 @!p1 $0x0  }
0x14: {  	s2 =	sld [smem:$0x3F99];
	s0 =	simm.s32 @p1 $0x1  }
0x15: {  	[smem:$0x3FB6] =	sst s0;
	s0 =	simm.s32 @!p2 $0x0  }
0x16: {  	s3 =	sld [smem:$0x3FDB];
	s0 =	simm.s32 @p2 $0x1  }
0x17: {  	s4 =	simm.s32 $0x1BF5;
	[smem:$0x3FB8] =	sst s0  }
0x18: {  	s0 =	sld [smem:$0x3F9B];
	_ =	swait.ge [sflag:s4], $0x0  }
0x19: {  	s7 =	sld [smem:$0x3F9C]  }
0x1a: {  	s8 =	sadd.s32 $0xFFFFE003, lr  }
0x1b: {  	s9 =	sadd.s32 $0xFFFFFEF7, lr;
	s5 =	simm.s32 $0xFFFFFFFF;
	p2 =	slt.u32 s8, $0xFFFFF086  }
0x1c: {  	p1 =	slt.u32 s9, $0xF7A;
	s5 =	simm.s32 @!p2 $0x0  }
0x1d: {  	s5 =	simm.s32 @p1 $0x1;
	p0 =	seq.s32 s7, s2  }
0x1e: {  	s7 =	smul.u32 @!p0 $0xF7A, s2;
	p2 =	seq.s32 @!p0 s5, $0x0  }
0x1f: {  	s9 =	smul.u32 $0xF7A, s1;
	s8 =	simm.s32 @!p0 $0x1BF5;
	p2 =	por !p2, p0  }
0x20: {  	[sflag:s8] =	ssyncset.s32 @!p0 $0xFFFFF086;
	s6 =	sadd.s32 @!p0 s3, s7;
	s7 =	simm.s32 @!p0 $0x108  }
0x21: {  	s3 =	sadd.s32 s3, s9;
	s6 =	sadd.s32 @!p0 $0x88, s6;
	s7 =	simm.s32 @p2 $0x1082  }
0x22: {  	[simem:s7], [sflag:s8] =	dma.local @!p0 [hbm:s6], $0xF7A  }
0x23: {  	s9 =	sor.u32 $0xD0000000, s2;
	s6 =	simm.s32 $0x108;
	_ =	swait.ge @!p0 [sflag:s8], $0x0  }
0x24: {  	s3 =	sadd.s32 $0x88, s3;
	s6 =	simm.s32 @!p1 $0x1082;
	[sflag:s4] =	ssyncset.s32 $0xFFFFF086  }
0x25: {  	[simem:s6], [sflag:s4] =	dma.local [hbm:s3], $0xF7A  }
0x26: {  	[smem:$0x3F9C] =	sst s1;
	(tag) =	ssettag s2;
	_ =	strace s9  }
0x27: {  	s1 =	sld [smem:$0x3FAC]  }
0x28: {  	s2 =	sld [smem:$0x3FAD]  }
0x29: {  	s4 =	sld [smem:$0x3FAF]  }
0x2a: {  	p0 =	seq.s32 s5, $0x0;
	s5 =	sld [smem:$0x3FB0]  }
0x2b: {  	s6 =	sld [smem:$0x3FB1]  }
0x2c: {  	s7 =	sld [smem:$0x3FB2]  }
0x2d: {  	s3 =	simm.s32 $0x108;
	s8 =	sld [smem:$0x3FB3]  }
0x2e: {  	s3 =	simm.s32 @!p0 $0x1082;
	s9 =	sld [smem:$0x3FB4]  }
0x2f: {  	lr =	sadd.s32 s0, s3;
	s0 =	sld [smem:$0x3FAB]  }
0x30: {  	s3 =	sld [smem:$0x3FAE]  }
0x31: {  	[smem:$0x3FB7] =	sst s10  }
0x32: {  	s10 =	sld [smem:$0x3FB5];
	_ =	sdelay $0x3  }
0x33: {  	p0 =	seq.s32 s10, $0x1;
	s10 =	sld [smem:$0x3FB7];
	_ =	sdelay $0x3  }
0x34: {  	[smem:$0x3FB7] =	sst s10  }
0x35: {  	s10 =	sld [smem:$0x3FB6];
	_ =	sdelay $0x3  }
0x36: {  	p1 =	seq.s32 s10, $0x1;
	s10 =	sld [smem:$0x3FB7];
	_ =	sdelay $0x3  }
0x37: {  	[smem:$0x3FB7] =	sst s10  }
0x38: {  	s10 =	sld [smem:$0x3FB8]  }
0x39: {  	_ = 	snop;
	(pc) =	sbr.ind lr, $3  }
0x3a: {  	_ = 	snop  }
0x3b: {  	_ = 	snop  }
0x3c: {  	p2 =	seq.s32 s10, $0x1;
	s10 =	sld [smem:$0x3FB7]  }
0x3d: {  	_ =	shalt  }
0x3e: {  	_ =	shalt  }
0x3f: {  	_ =	shalt  }
0x40: {  	_ =	shalt  }
0x41: {  	_ =	shalt  }
0x42: {  	_ =	shalt  }
0x43: {  	_ =	shalt  }
0x44: {  	_ =	shalt  }
0x45: {  	_ =	shalt  }
0x46: {  	_ =	shalt  }
0x47: {  	_ =	shalt  }
0x48: {  	_ =	shalt  }
0x49: {  	_ =	shalt  }
0x4a: {  	_ =	shalt  }
0x4b: {  	_ =	shalt  }
0x4c: {  	_ =	shalt  }
0x4d: {  	_ =	shalt  }
0x4e: {  	_ =	shalt  }
0x4f: {  	_ =	shalt  }
0x50: {  	_ =	shalt  }
0x51: {  	_ =	shalt  }
0x52: {  	_ =	shalt  }
0x53: {  	_ =	shalt  }
0x54: {  	_ =	shalt  }
0x55: {  	_ =	shalt  }
0x56: {  	_ =	shalt  }
0x57: {  	_ =	shalt  }
0x58: {  	_ =	shalt  }
0x59: {  	_ =	shalt  }
0x5a: {  	_ =	shalt  }
0x5b: {  	_ =	shalt  }
0x5c: {  	_ =	shalt  }
0x5d: {  	_ =	shalt  }
0x5e: {  	_ =	shalt  }
0x5f: {  	_ =	shalt  }
0x60: {  	_ =	shalt  }
0x61: {  	_ =	shalt  }
0x62: {  	_ =	shalt  }
0x63: {  	_ =	shalt  }
0x64: {  	_ =	shalt  }
0x65: {  	_ =	shalt  }
0x66: {  	_ =	shalt  }
0x67: {  	_ =	shalt  }
0x68: {  	_ =	shalt  }
0x69: {  	_ =	shalt  }
0x6a: {  	_ =	shalt  }
0x6b: {  	_ =	shalt  }
0x6c: {  	_ =	shalt  }
0x6d: {  	_ =	shalt  }
0x6e: {  	_ =	shalt  }
0x6f: {  	_ =	shalt  }
0x70: {  	_ =	shalt  }
0x71: {  	_ =	shalt  }
0x72: {  	_ =	shalt  }
0x73: {  	_ =	shalt  }
0x74: {  	_ =	shalt  }
0x75: {  	_ =	shalt  }
0x76: {  	_ =	shalt  }
0x77: {  	_ =	shalt  }
0x78: {  	_ =	shalt  }
0x79: {  	_ =	shalt  }
0x7a: {  	_ =	shalt  }
0x7b: {  	_ =	shalt  }
0x7c: {  	_ =	shalt  }
0x7d: {  	_ =	shalt  }
0x7e: {  	_ =	shalt  }
0x7f: {  	_ =	shalt  }
0x80: {  	_ =	shalt  }
0x81: {  	_ =	shalt  }
0x82: {  	_ =	shalt  }
0x83: {  	_ =	shalt  }
0x84: {  	_ =	shalt  }
0x85: {  	_ =	shalt  }
0x86: {  	_ =	shalt  }
0x87: {  	_ =	shalt  }
.Lfunc_end0:
.L_simem_size_0:
called_computation.1_lowered:
.L_overlay_start_0:
0x88: {  	s2 =	sld [smem:$0x3FD9]  }
0x89: {  	s3 =	sld [smem:$0x3FFE];
	_ =	sdelay $0x1  }
0x8a: {  	s1 =	srdreg.scid  }
0x8b: {  	s0 =	sand.u32 $0x1, s1  }
0x8c: {  	s17 =	sshll.u32 s0, $0xA;
	s2 =	sadd.s32 s3, s2  }
0x8d: {  	s2 =	sadd.s32 s2, s17  }
0x8e: {  	[smem:$0x3FC3] =	sst s2  }
0x8f: {  	_ = 	snop  }
0x90: {  	s2 =	sld [smem:$0x3FC7];
	(tm) =	ssettm $0x1  }
0x91: {  	s18 =	sld [smem:$0x3FFB];
	_ =	sdelay $0x3  }
0x92: {  	_ =	strace s18  }
0x93: {  	s3 =	sld [smem:$0x3FFC];
	_ =	sdelay $0x3  }
0x94: {  	_ =	strace s3  }
0x95: {  	s3 =	sld [smem:$0x3FFD];
	_ =	sdelay $0x3  }
0x96: {  	_ =	strace s3  }
0x97: {  	_ =	strace $0x8FFFFFFF  }
0x98: {  	s19 =	sld [smem:$0x3FDB];
	_ =	sdelay $0x1  }
0x99: {  	s4 =	simm.s32 $_scs_section_size  }
0x9a: {  	s5 =	simm.s32 $_size__tile_overlayer_lowered;
	s6 =	simm.s32 $_tile_overlayer_lowered  }
0x9b: {  	s22 =	simm.s32 $0x1BFF;
	s21 =	sshll.u32 s6, $0x1;
	s3 =	sadd.s32 s4, s19  }
0x9c: {  	s7 =	simm.s32 $0x0;
	s20 =	sshll.u32 s5, $0x1;
	s5 =	sadd.s32 s21, s3  }
0x9d: {  	[timem:s7], [sflag:s22] =	dma.local [hbm:s5], s20  }
0x9e: {  	_ =	swait.ge [sflag:s22], s20  }
0x9f: {  	s4 =	ssub.s32 $0x0, s20;
	[sflag:s22] =	ssyncset.done $0x0  }
0xa0: {  	[sflag:s22] =	ssyncadd.s32 s4;
	_ =	sdelay $0x1  }
0xa1: {  	s23 =	simm.s32 $0x1B8B  }
0xa2: {  	_ =	swait.ge [sflag:s23], $0x1  }
0xa3: {  	[sflag:s23] =	ssyncset.done $0x0  }
0xa4: {  	s25 =	simm.s32 $0x1B8E;
	s24 =	sld [smem:$0x3FFE];
	[sflag:s23] =	ssyncadd.s32 $0xFFFFFFFF  }
0xa5: {  	s26 =	simm.s32 $execute0_lowered;
	[smem:$0x3FD2] =	sst s25  }
0xa6: {  	s5 =	sshll.u32 s26, $0x1;
	_ =	strace $0x80000049;
	[dreg:$0x1] =	wrdreg $0xFFFFFFFF  }
0xa7: {  	s28 =	simm.s32 $_size_execute0_lowered;
	s3 =	sadd.s32 s3, s5;
	[dreg:$0x0] =	wrdreg $0x0  }
0xa8: {  	s5 =	sshll.u32 s28, $0x1;
	[dreg:$0x2] =	wrdreg s3  }
0xa9: {  	[dreg:$0x3] =	wrdreg s5  }
0xaa: {  	[dreg:$0x4] =	wrdreg $0xC0  }
0xab: {  	_ =	task [dreg:s7], $0x5FFFF  }
0xac: {  	[dreg:$0x1] =	wrdreg $0xFFFFFFFF  }
0xad: {  	[dreg:$0x0] =	wrdreg $0x60  }
0xae: {  	[dreg:$0x2] =	wrdreg s24  }
0xaf: {  	[dreg:$0x3] =	wrdreg s2  }
0xb0: {  	[dreg:$0x4] =	wrdreg $0x9  }
0xb1: {  	_ =	task.clear_ibuf [dreg:s7], $0x5FFFF;
	_ =	strace $0x90000049  }
0xb2: {  	s29 =	simm.s32 $0x9;
	_ =	strace $0x8000004B  }
0xb3: {  	_ =	swait.ge [sflag:s29], $0x1  }
0xb4: {  	[sflag:s29] =	ssyncadd.s32 $0xFFFFFFFF  }
0xb5: {  	_ =	strace $0x9000004B  }
0xb6: {  	_ =	sfence  }
0xb7: {  	s30 =	sld [smem:$0x0];
	_ =	sdelay $0x2  }
0xb8: {  	s31 =	sshll.u32 s1, $0xD;
	s1 =	sshrl.u32 s1, $0x2  }
0xb9: {  	s3 =	sand.u32 $0x4000, s31;
	s1 =	sadd.s32 s1, s30  }
0xba: {  	s0 =	sor.u32 s3, s0;
	s1 =	sshll.u32 s1, $0x11  }
0xbb: {  	s0 =	sor.u32 s1, s0  }
0xbc: {  	s0 =	sadd.s32 $0x8F2B, s0  }
0xbd: {  	[sflag:s0] =	ssyncadd.remote.s32 $0x1  }
0xbe: {  	_ =	sfence.sel $0xFFFF  }
0xbf: {  	[dreg:$0x0] =	wrdreg $0xFFFFFFFF;
	(pc) =	sbr.abs _section_cstart, $3  }
0xc0: {  	[dreg:$0x1] =	wrdreg $0xFFFFFFFF  }
0xc1: {  	_ =	task.clear_ibuf [dreg:s7], $0x2FFFF;
	_ =	strace $0x9FFFFFFF  }
0xc2: {  	(tm) =	ssettm $0x7FFFFFFF  }
0xc3: {  	_ =	shalt  }
tec
execute0_lowered:
.L_overlay_start_1:
0x0: {  	(tag) =	ssettag $0x1  }
0x1: {  	s0 =	srdreg.scid;
	s1 =	rddreg [dreg:$0x0]  }
0x2: {  	s2 =	stileid.u32;
	s3 =	rddreg [dreg:$0x1]  }
0x3: {  	s14 =	simm.s32 $0x2;
	s16 =	simm.s32 $0x1;
	s17 =	simm.s32 $0x10080  }
0x4: {  	s18 =	simm.s32 $0x8000;
	s19 =	simm.s32 $0x40;
	s20 =	simm.s32 $0x18280  }
0x5: {  	s21 =	simm.s32 $0x1C300;
	s0 =	sand.u32 $0x1, s0;
	s4 =	sshll.u32 s2, $0x6  }
0x6: {  	s2 =	simm.s32 $0x0;
	s7 =	sadd.s32 $0x481200, s1;
	s29 =	sadd.s32 $0x401200, s1  }
0x7: {  	s26 =	sadd.s32 $0x1200, s1;
	s8 =	sadd.s32 $0x505400, s1;
	[smem:$0x7FF] =	sst s2  }
0x8: {  	s5 =	sshll.u32 s0, $0x5;
	_ =	strace $0x8000004A;
	[dreg:$0x3] =	wrdreg s26  }
0x9: {  	s0 =	ssub.s32 $0x2, s0;
	s4 =	sor.u32 s5, s4;
	[dreg:$0x4] =	wrdreg s7  }
0xa: {  	s10 =	sshrl.u32 s0, $0x1;
	s6 =	smov.u32 s4;
	s4 =	sshrl.u32 s4, $0x3  }
0xb: {  	[dreg:$0x5] =	wrdreg s29;
	s0 =	ssub.s32 s0, s10;
	s30 =	sadd.s32 s3, s4  }
0xc: {  	s28 =	sadd.s32 s4, s1;
	s0 =	smax.u32 s0, $0x1;
	[dreg:$0x6] =	wrdreg s30  }
0xd: {  	v0 =	vimm.s32 $0x0;
	vm0 =	vmmov $0x1;
	s9 =	sadd.s32 $0x605400, s1;
	s31 =	sadd.s32 $0x501200, s28;
	[dreg:$0x8] =	wrdreg s0  }
0xe: {  	v1 =	vimm.f32 $-Inf;
	v2 =	vlaneseq.u32;
	vm1 =	vmxor vm1, vm1;
	s7 =	sadd.s32 $0x501400, s1;
	s1 =	simm.s32 $0x0;
	[dreg:$0x7] =	wrdreg s31  }
.LBB2_1:
0xf: {  	[dreg:$0x9] =	wrdreg s1  }
0x10: {  	s0 =	rddreg [dreg:$0x6];
	s29 =	simm.s32 $0x18100  }
0x11: {  	[tilespmem:s29], [sflag:$0x2] =	stream.linear.gather [hbm4b:s0+s2], $0x20, $0x38;
	[tilespmem:$0x1E300] =	vst v63  }
0x12: {  	_ =	swait.ge [sflag:s14], $0x20  }
0x13: {  	[sflag:s14] =	ssyncset.done $0x0  }
0x14: {  	s31 =	simm.s32 $0x18180;
	s30 =	rddreg [dreg:$0x7];
	[sflag:s14] =	ssyncadd.s32 $0xFFFFFFE0  }
0x15: {  	[tilespmem:s31], [sflag:$0x2] =	stream.linear.gather [hbm4b:s30+s2], $0x20, $0x38;
	[tilespmem:$0x1E300] =	vst v63  }
0x16: {  	_ =	swait.ge [sflag:s14], $0x20  }
0x17: {  	[sflag:s14] =	ssyncset.done $0x0  }
0x18: {  	s26 =	simm.s32 $0x0;
	[sflag:s14] =	ssyncadd.s32 $0xFFFFFFE0  }
.LBB2_2:
0x19: {  	s28 =	sor.u32 s6, s26  }
0x1a: {  	s1 =	rddreg [dreg:$0x3];
	s0 =	sshll.u32 s28, $0xC  }
0x1b: {  	v4 =	vmov s26;
	s1 =	sadd.s32 s1, s0;
	s0 =	simm.s32 $0x0  }
0x1c: {  	[tilespmem:s0], [sflag:$0x2] =	stream.linear.gather [hbm4b:s1+s0], $0x8000, $0x38;
	[tilespmem:$0x1E300] =	vst v63  }
0x1d: {  	_ =	swait.ge [sflag:s14], $0x8000  }
0x1e: {  	[sflag:s14] =	ssyncset.done $0x0  }
0x1f: {  	s30 =	simm.s32 $0x18180;
	[sflag:s14] =	ssyncadd.s32 $0xFFFF8000  }
0x20: {  	v3 =	vld.idx.msk [tilespmem:v4+s30+$0x0], $0xffff;
	_ =	sdelay $0x4  }
0x21: {  	(xrf0) =	vmax.scan.msk.f32 $0xffff, v3  }
0x22: {  	s31 =	simm.s32 $0x18100  }
0x23: {  	v4 =	vld.idx.msk [tilespmem:v4+s31+$0x0], $0xffff;
	_ =	sdelay $0x3  }
0x24: {  	v5, _, _ =	vpop (xrf0)  }
0x25: {  	(v2sf) =	vpush v5, $0xF;
	v5 =	vshra.s32 v4, $0x1F  }
0x26: {  	v5 =	vshrl.u32 v5, $0x19  }
0x27: {  	v5 =	vadd.s32 v5, v4  }
0x28: {  	v5 =	vshra.s32 v5, $0x7  }
0x29: {  	v6 =	vshll.u32 v5, $0x7  }
0x2a: {  	vm2 =	vlt.s32 v4, $0x1;
	vm3 =	vne.s32 v4, v6  }
0x2b: {  	vm2 =	vmand vm2, vm3  }
0x2c: {  	v6 =	vsel vm2, $0xFFFFFFFF, v0  }
0x2d: {  	v5 =	vadd.s32 v6, v5  }
0x2e: {  	v6 =	vand.u32 $0x7F, v4;
	v5 =	vshll.u32 v5, $0x7  }
0x2f: {  	v5 =	vor.u32 v6, v5  }
.Ltmp0:
0x30: {  	_ = 	snop;
	(pc) =	sbr.rel .LBB2_3-.Ltmp0, $3  }
0x31: {  	_ =	sdelay $0x1  }
0x32: {  	s4 =	simm.s32 $0x0;
	s10 =	simm.s32 $0x0  }
0x33: {  	s11 =	simm.s32 $0x0;
	s1 =	simm.s32 $0x0;
	s3 =	spop (v2sf);
	v5 =	vld.idx.msk [tilespmem:v5+s0+$0x0], $0xffff  }
.LBB2_7:
0x34: {  	s11 =	sadd.s32 $0x1, s11  }
0x35: {  	p0 =	sne.s32 s11, $0x100  }
.Ltmp1:
0x36: {  	_ = 	snop;
	(pc) =	sbr.rel @!p0 .LBB2_8-.Ltmp1, $2  }
0x37: {  	_ =	sdelay $0x2  }
0x38: {  	s10 =	sadd.s32 $0x80, s10;
	s4 =	sadd.s32 $0x80, s4  }
.LBB2_3:
0x39: {  	s5 =	sshll.u32 s11, $0x7  }
0x3a: {  	v6 =	vld [tilespmem:s5+$0x0]  }
0x3b: {  	v7 =	vld [tilespmem:s5+$0x10]  }
0x3c: {  	v8 =	vld [tilespmem:s5+$0x20]  }
0x3d: {  	v9 =	vld [tilespmem:s5+$0x30]  }
0x3e: {  	v10 =	vld [tilespmem:s5+$0x40]  }
0x3f: {  	v11 =	vld [tilespmem:s5+$0x50]  }
0x40: {  	v6 =	vmax.f32 v6, v7;
	v7 =	vld [tilespmem:s5+$0x60]  }
0x41: {  	v63 =	vld [tilespmem:s5+$0x70];
	v6 =	vmax.f32 v6, v8  }
0x42: {  	v6 =	vmax.f32 v6, v9  }
0x43: {  	v6 =	vmax.f32 v6, v10  }
0x44: {  	v6 =	vmax.f32 v6, v11  }
0x45: {  	v6 =	vmax.f32 v6, v7  }
0x46: {  	v6 =	vmax.f32 v6, v63  }
0x47: {  	(xrf0) =	vmax.scan.msk.f32 $0xffff, v6;
	_ =	sdelay $0x5  }
0x48: {  	v6, _, _ =	vpop (xrf0)  }
0x49: {  	(v2sf) =	vpush v6, $0xF;
	_ =	sdelay $0xe  }
0x4a: {  	s31 =	spop (v2sf)  }
0x4b: {  	p0 =	sge.f32 s31, s3  }
.Ltmp2:
0x4c: {  	_ = 	snop;
	(pc) =	sbr.rel @!p0 .LBB2_7-.Ltmp2, $1  }
0x4d: {  	_ =	sdelay $0x3  }
0x4e: {  	s5 =	sshra.s32 s0, $0x2  }
0x4f: {  	s5 =	sadd.s32 s5, s4  }
0x50: {  	v6 =	vld [tilespmem:s5+$0x0];
	_ =	sdelay $0x3  }
0x51: {  	v7 =	vor.u32 s10, v2  }
0x52: {  	vm3 =	vne.s32 v7, v4;
	vm2 =	vge.f32 v6, v3  }
0x53: {  	vm2 =	vmand vm3, vm2  }
0x54: {  	v8 =	vmpcnt.ones.xlane vm2;
	_ =	sdelay $0x1  }
0x55: {  	v8 =	vxor.u32 $0x80000000, v8  }
0x56: {  	(xrf0) =	vmax.scan.msk.u32 $0xffff, v8;
	_ =	sdelay $0x5  }
0x57: {  	s31 =	sadd.s32 $0x40, s0;
	[tilespmem:s1+$0x8000] =	vst.msk vm2, v6;
	v6, _, _ =	vpop (xrf0)  }
0x58: {  	s13 =	sshra.s32 s31, $0x2;
	s12 =	sadd.s32 $0x40, s31;
	s5 =	smov.u32 s10;
	[tilespmem:s1+$0x10080] =	vst.msk vm2, v7;
	(v2sf) =	vpush v6, $0xF  }
.LBB2_5:
0x59: {  	p0 =	sne.s32 s12, $0x1C0;
	s13 =	sadd.s32 s13, s4  }
0x5a: {  	v6 =	vld [tilespmem:s13+$0x0];
	_ =	sdelay $0x2  }
0x5b: {  	s5 =	sadd.s32 $0x10, s5  }
0x5c: {  	v7 =	vor.u32 s5, v2  }
0x5d: {  	vm3 =	vne.s32 v7, v4;
	vm2 =	vge.f32 v6, v3  }
0x5e: {  	vm2 =	vmand vm3, vm2  }
0x5f: {  	v8 =	vmpcnt.ones.xlane vm2;
	_ =	sdelay $0x1  }
0x60: {  	v8 =	vxor.u32 $0x80000000, v8  }
0x61: {  	(xrf0) =	vmax.scan.msk.u32 $0xffff, v8;
	_ =	sdelay $0x2  }
.Ltmp3:
0x62: {  	s13 =	spop (v2sf);
	(pc) =	sbr.rel @p0 .LBB2_5-.Ltmp3, $4  }
0x63: {  	s1 =	sadd.s32 s13, s1  }
0x64: {  	s1 =	sadd.s32 $0x80000000, s1  }
0x65: {  	[tilespmem:s1+$0x8000] =	vst.msk vm2, v6;
	v6, _, _ =	vpop (xrf0)  }
0x66: {  	s13 =	sshra.s32 s12, $0x2;
	s12 =	sadd.s32 $0x40, s12;
	[tilespmem:s1+$0x10080] =	vst.msk vm2, v7;
	(v2sf) =	vpush v6, $0xF  }
0x67: {  	s12 =	sadd.s32 s13, s4  }
0x68: {  	v6 =	vld [tilespmem:s12+$0x0];
	_ =	sdelay $0x2  }
0x69: {  	s5 =	sadd.s32 $0x10, s5  }
0x6a: {  	v7 =	vor.u32 s5, v2  }
0x6b: {  	vm3 =	vne.s32 v7, v4;
	vm2 =	vge.f32 v6, v3  }
0x6c: {  	vm2 =	vmand vm3, vm2  }
0x6d: {  	v8 =	vmpcnt.ones.xlane vm2;
	_ =	sdelay $0x1  }
0x6e: {  	v8 =	vxor.u32 $0x80000000, v8  }
0x6f: {  	(xrf0) =	vmax.scan.msk.u32 $0xffff, v8;
	_ =	sdelay $0x5  }
0x70: {  	v8, _, _ =	vpop (xrf0)  }
0x71: {  	(v2sf) =	vpush v8, $0xF;
	_ =	sdelay $0xc  }
.Ltmp4:
0x72: {  	s30 =	spop (v2sf);
	(pc) =	sbr.rel .LBB2_7-.Ltmp4, $4  }
0x73: {  	s1 =	sadd.s32 s30, s1  }
0x74: {  	s1 =	sadd.s32 $0x80000000, s1;
	s31 =	spop (v2sf)  }
0x75: {  	[tilespmem:s1+$0x8000] =	vst.msk vm2, v6;
	s5 =	sadd.s32 s31, s1  }
0x76: {  	[tilespmem:s1+$0x10080] =	vst.msk vm2, v7;
	s1 =	sadd.s32 $0x80000000, s5  }
.LBB2_8:
0x77: {  	s0 =	sadd.s32 $0xF, s1  }
0x78: {  	s3 =	sand.u32 $0xF, s0  }
0x79: {  	s31 =	sshra.s32 s0, $0x1F;
	p1 =	slt.s32 s0, $0x1;
	p0 =	sne.s32 s3, $0x0  }
0x7a: {  	s3 =	sshrl.u32 s31, $0x1C;
	p0 =	por !p1, !p0  }
0x7b: {  	s0 =	sadd.s32 s3, s0;
	s3 =	simm.s32 $0x1;
	p0 =	por !p0, !p0  }
0x7c: {  	s0 =	sshra.s32 s0, $0x4;
	s3 =	simm.s32 @!p0 $0x0  }
.Ltmp5:
0x7d: {  	s29 =	ssub.s32 s0, s3;
	(pc) =	sbr.rel .LBB2_9-.Ltmp5, $4  }
0x7e: {  	p0 =	slt.s32 s29, $0x1  }
0x7f: {  	v3 =	vimm.f32 $-Inf;
	v6 =	vnsel vm0, $0xFF800000, v5;
	s0 =	simm.s32 @!p0 $0x0  }
0x80: {  	v7 =	vnsel vm0, $0x0, v4;
	v4 =	vimm.s32 $0x0;
	v5 =	vimm.s32 $0x0;
	s0 =	simm.s32 @p0 $0x1  }
0x81: {  	s30 =	simm.s32 $0x1;
	v8 =	vimm.s32 $0x0;
	v9 =	vimm.f32 $-Inf;
	v10 =	vimm.f32 $-Inf;
	[tilespmem:s1+$0x8000] =	vst v3;
	[smem:$0x7FD] =	sst s0  }
.LBB2_11:
0x82: {  	p0 =	por $0x0, $0x0  }
0x83: {  	s3 =	simm.s32 @!p0 $0x0  }
0x84: {  	s3 =	simm.s32 @p0 $0x1;
	p0 =	por $0x0, $0x0  }
0x85: {  	[smem:$0x7F7] =	sst s3;
	s3 =	simm.s32 @!p0 $0x0  }
0x86: {  	s3 =	simm.s32 @p0 $0x1;
	p0 =	por $0x0, $0x0  }
0x87: {  	[smem:$0x7F8] =	sst s3;
	s3 =	simm.s32 @!p0 $0x0  }
0x88: {  	s3 =	simm.s32 @p0 $0x1;
	p0 =	por $0x0, $0x0  }
0x89: {  	[smem:$0x7F9] =	sst s3;
	s3 =	simm.s32 @!p0 $0x0  }
0x8a: {  	s3 =	simm.s32 @p0 $0x1;
	p0 =	por $0x0, $0x0  }
0x8b: {  	[smem:$0x7FA] =	sst s3;
	s3 =	simm.s32 @!p0 $0x0  }
0x8c: {  	s25 =	simm.f32 $-Inf;
	s3 =	simm.s32 @p0 $0x1;
	p0 =	por $0x0, $0x0  }
0x8d: {  	s11 =	simm.s32 $0x8000;
	[smem:$0x7FB] =	sst s3;
	s3 =	simm.s32 @!p0 $0x0  }
0x8e: {  	s15 =	simm.s32 $0x80000000;
	s4 =	simm.s32 $0x0;
	s3 =	simm.s32 @p0 $0x1  }
0x8f: {  	s24 =	simm.f32 $-Inf;
	[smem:$0x7FC] =	sst s3;
	s3 =	simm.f32 $-Inf  }
.LBB2_32:
0x90: {  	[smem:$0x7EC] =	sst s0  }
0x91: {  	s0 =	sld [smem:$0x7F9];
	_ =	sdelay $0x2  }
0x92: {  	p1 =	seq.s32 s0, $0x1;
	s0 =	sld [smem:$0x7EC];
	_ =	sdelay $0x2  }
0x93: {  	[smem:$0x7EC] =	sst s0;
	s0 =	simm.s32 @!p1 $0x0  }
0x94: {  	s0 =	simm.s32 @p1 $0x1  }
0x95: {  	[smem:$0x7F9] =	sst s0  }
0x96: {  	s0 =	sld [smem:$0x7EC]  }
0x97: {  	p4 =	sgt.f32 @p1 s12, s25;
	_ =	sdelay $0x1  }
0x98: {  	[smem:$0x7EC] =	sst s0;
	s0 =	simm.s32 @!p4 $0x0  }
0x99: {  	s5 =	sadd.s32 @p5 $0x10, s15;
	s15 =	simm.s32 $0x80000000;
	s0 =	simm.s32 @p4 $0x1  }
0x9a: {  	s15 =	smov.u32 @p5 s5;
	[smem:$0x7ED] =	sst s0  }
0x9b: {  	s5 =	sadd.s32 @p2 $0x10, s11;
	s11 =	simm.s32 $0x8000;
	s0 =	sld [smem:$0x7EC]  }
0x9c: {  	s11 =	smov.u32 @p2 s5;
	s5 =	sld [smem:$0x7F7];
	_ =	sdelay $0x2  }
0x9d: {  	p4 =	seq.s32 s5, $0x1  }
0x9e: {  	s5 =	simm.s32 @!p4 $0x0  }
0x9f: {  	s5 =	simm.s32 @p4 $0x1  }
0xa0: {  	[smem:$0x7F7] =	sst s5  }
0xa1: {  	v23, _, _ =	vpop @p3 (xrf0);
	s5 =	spop @p4 (v2sf);
	[smem:$0x7EC] =	sst s0  }
0xa2: {  	s0 =	sld [smem:$0x7ED];
	_ =	sdelay $0x2  }
0xa3: {  	p5 =	seq.s32 s0, $0x1  }
0xa4: {  	s0 =	sld [smem:$0x7EC];
	p5 =	por !p5, !p1  }
0xa5: {  	s12 =	smov.u32 @p5 s25;
	s25 =	sld [smem:$0x7FC];
	_ =	sdelay $0x2  }
0xa6: {  	p5 =	seq.s32 s25, $0x1;
	s25 =	sld [smem:$0x7FB];
	_ =	sdelay $0x2  }
0xa7: {  	p1 =	seq.s32 s25, $0x1;
	s25 =	sld [smem:$0x7F8]  }
0xa8: {  	p0 =	por !p0, !p4;
	s5 =	sadd.s32 @p4 s15, s5  }
0xa9: {  	s5 =	smov.u32 @p0 s4  }
0xaa: {  	s4 =	simm.s32 @!p5 $0x0;
	p4 =	seq.s32 s25, $0x1;
	s25 =	sld [smem:$0x7F4]  }
0xab: {  	s4 =	simm.s32 @p5 $0x1  }
0xac: {  	[smem:$0x7FC] =	sst s4;
	s4 =	simm.s32 @!p4 $0x0  }
0xad: {  	p0 =	por @p4 p6, p6;
	p6 =	seq.s32 s25, $0x1;
	s25 =	sld [smem:$0x7F9]  }
0xae: {  	s4 =	simm.s32 @p4 $0x1;
	p0 =	por @!p4 p6, p6  }
0xaf: {  	[smem:$0x7F8] =	sst s4;
	s4 =	simm.s32 @!p0 $0x0  }
0xb0: {  	s4 =	simm.s32 @p0 $0x1;
	p0 =	seq.s32 s25, $0x1;
	s25 =	sld [smem:$0x7ED]  }
0xb1: {  	_ =	sdelay $0x1  }
0xb2: {  	p4 =	seq.s32 s25, $0x1;
	s25 =	sld [smem:$0x7FA]  }
0xb3: {  	p4 =	por @p0 p4, p4  }
0xb4: {  	[smem:$0x7EE] =	sst s4;
	s4 =	simm.s32 @!p4 $0x0  }
0xb5: {  	s4 =	simm.s32 @p4 $0x1;
	p4 =	seq.s32 s25, $0x1;
	s25 =	sld [smem:$0x7F5]  }
0xb6: {  	_ = 	snop  }
0xb7: {  	[smem:$0x7EF] =	sst s4  }
0xb8: {  	p6 =	seq.s32 s25, $0x1;
	s25 =	sld [smem:$0x7EF];
	_ =	sdelay $0x1  }
0xb9: {  	vm2 =	veq.f32 @p5 v14, v17  }
0xba: {  	(v2sf) =	vpush @p3 v23, $0xF;
	v17 =	vadd.f32 @p3 $0.0e+00, v23;
	v23 =	vmctz.xlane @p5 vm2;
	p5 =	seq.s32 s25, $0x1  }
0xbb: {  	p5 =	por @!p0 p6, p6  }
0xbc: {  	s25 =	simm.s32 @!p5 $0x0  }
0xbd: {  	s25 =	simm.s32 @p5 $0x1  }
0xbe: {  	[smem:$0x7EF] =	sst s25  }
0xbf: {  	s25 =	sld [smem:$0x7FC];
	_ =	sdelay $0x2  }
0xc0: {  	p5 =	seq.s32 s25, $0x1;
	s25 =	sld [smem:$0x7F7];
	_ =	sdelay $0x1  }
0xc1: {  	v14 =	vld @p1 [tilespmem:s11+$0x0];
	s11 =	sadd.s32 @p1 $0x10, s11;
	s24 =	smov.u32 @p0 s12;
	s4 =	spop @p4 (v2sf)  }
0xc2: {  	s13 =	smov.u32 @p4 s4;
	s4 =	simm.s32 $0x0;
	p0 =	seq.s32 s25, $0x1  }
0xc3: {  	s4 =	smov.u32 @p0 s5;
	s5 =	sadd.s32 @p0 $0x10, s15;
	s15 =	sld [smem:$0x7F8]  }
0xc4: {  	s10 =	smov.u32 @p1 s11;
	s25 =	sld [smem:$0x7EE]  }
0xc5: {  	v59 =	vld [tilespmem:s10+$0x0];
	s10 =	simm.s32 $0x80000000  }
0xc6: {  	(xrf0) =	vmax.scan.msk.f32 @p2 $0xffff, v11;
	s11 =	sld [smem:$0x7F6];
	v23 =	vxor.u32 @p5 $0x80000000, v23;
	s10 =	smov.u32 @p0 s5;
	p0 =	seq.s32 s15, $0x1  }
0xc7: {  	v24, _, _ =	vpop @p4 (xrf0);
	p6 =	sgt.f32 @p4 s13, s24;
	(xrf0) =	vmax.scan.msk.u32 @p5 $0xffff, v23;
	p5 =	seq.s32 s25, $0x1;
	s5 =	spop @p0 (v2sf)  }
0xc8: {  	s5 =	sadd.s32 @p0 s10, s5;
	p0 =	por !p5, !p0  }
0xc9: {  	p5 =	por p6, p6;
	p6 =	por !p6, !p4;
	s5 =	smov.u32 @p0 s4  }
0xca: {  	(v2sf) =	vpush @p4 v24, $0xF;
	p0 =	por p4, p4;
	p5 =	por @p4 p5, p5;
	p4 =	seq.s32 s11, $0x1  }
0xcb: {  	p5 =	por @!p0 p4, p4  }
0xcc: {  	s12 =	sld [smem:$0x7FC];
	s4 =	simm.s32 @!p5 $0x0  }
0xcd: {  	s4 =	simm.s32 @p5 $0x1  }
0xce: {  	[smem:$0x7F0] =	sst s4;
	s4 =	simm.s32 @!p0 $0x0  }
0xcf: {  	p5 =	seq.s32 s12, $0x1;
	s4 =	simm.s32 @p0 $0x1  }
0xd0: {  	s13 =	smov.u32 @p6 s24;
	[smem:$0x7FA] =	sst s4;
	s4 =	spop @p5 (v2sf)  }
0xd1: {  	s3 =	smov.u32 @p0 s13;
	s23 =	smov.u32 @p5 s4  }
0xd2: {  	p0 =	sgt.f32 @p5 s23, s3  }
0xd3: {  	s13 =	sld [smem:$0x7F8]  }
0xd4: {  	s15 =	sld [smem:$0x7F9];
	s12 =	simm.s32 @!p0 $0x0  }
0xd5: {  	v18 =	vpsel p3, v18, v12;
	v17 =	vbroadcast @p3 v17, $0xF;
	s24 =	sld [smem:$0x7EF];
	s12 =	simm.s32 @p0 $0x1  }
0xd6: {  	p4 =	seq.s32 s13, $0x1;
	[smem:$0x7F1] =	sst s12  }
0xd7: {  	v17 =	vpsel p3, v17, v21;
	s11 =	simm.s32 $0x80000000;
	s10 =	sadd.s32 @p4 $0x10, s10;
	s25 =	sld [smem:$0x7F1]  }
0xd8: {  	vm2 =	veq.f32 @p3 v18, v17;
	v18, _, _ =	vpop @p2 (xrf0);
	p6 =	seq.s32 s15, $0x1;
	s11 =	smov.u32 @p4 s10  }
0xd9: {  	v14 =	vpsel p1, v14, v22;
	(v2sf) =	vpush @p2 v18, $0xF;
	s10 =	simm.s32 $0x80000000;
	s4 =	simm.s32 $0x0;
	p0 =	seq.s32 s24, $0x1  }
0xda: {  	v21 =	vmctz.xlane @p3 vm2;
	(xrf0) =	vmax.scan.msk.f32 @p1 $0xffff, v14;
	v18 =	vadd.f32 @p2 $0.0e+00, v18;
	s4 =	smov.u32 @p4 s5;
	p0 =	por @p6 p0, p0;
	p4 =	seq.s32 s25, $0x1  }
0xdb: {  	s5 =	spop @p6 (v2sf);
	p0 =	por @!p6 p0, p0;
	p4 =	por !p4, !p5  }
0xdc: {  	v21 =	vxor.u32 @p3 $0x80000000, v21;
	v18 =	vbroadcast @p2 v18, $0xF;
	p0 =	por !p0, !p6;
	s23 =	smov.u32 @p4 s3;
	s3 =	sadd.s32 @p6 s11, s5  }
0xdd: {  	(xrf0) =	vmax.scan.msk.u32 @p3 $0xffff, v21;
	s12 =	sld [smem:$0x7F0];
	s3 =	smov.u32 @p0 s4;
	s4 =	spop @p3 (v2sf)  }
0xde: {  	v11 =	vpsel p2, v11, v19;
	v19, _, _ =	vpop @p5 (xrf0);
	(xrf0) =	vmax.scan.msk.f32 $0xffff, v59;
	s5 =	simm.f32 $-Inf;
	s22 =	smov.u32 @p3 s4;
	s4 =	simm.s32 $0x0  }
0xdf: {  	s5 =	smov.u32 @p5 s23;
	s4 =	smov.u32 @p6 s3;
	s3 =	sadd.s32 @p6 $0x10, s11  }
0xe0: {  	v11 =	vpsel p2, v11, v15;
	v15 =	vpsel p2, v18, v20;
	v18, _, _ =	vpop @p1 (xrf0);
	s11 =	sld [smem:$0x7FA];
	s10 =	smov.u32 @p6 s3;
	p6 =	sgt.f32 @p3 s22, s5  }
0xe1: {  	vm2 =	veq.f32 @p2 v11, v15;
	(v2sf) =	vpush @p5 v19, $0xF;
	v11 =	vadd.f32 @p1 $0.0e+00, v18  }
0xe2: {  	v15 =	vmctz.xlane @p2 vm2;
	s15 =	sld [smem:$0x7F1];
	s3 =	simm.s32 @!p6 $0x0  }
0xe3: {  	v60 =	vpsel p1, v14, v12;
	v14, _, _ =	vpop @p3 (xrf0);
	v11 =	vbroadcast @p1 v11, $0xF;
	p4 =	seq.s32 s12, $0x1;
	p0 =	seq.s32 s11, $0x1;
	s3 =	simm.s32 @p6 $0x1  }
0xe4: {  	v12 =	vpsel p1, v60, v13;
	v15 =	vxor.u32 @p2 $0x80000000, v15;
	v61, _, _ =	vpop (xrf0);
	p4 =	por @p0 p4, p4;
	[smem:$0x7F2] =	sst s3  }
0xe5: {  	(v2sf) =	vpush @p1 v18, $0xF;
	(xrf0) =	vmax.scan.msk.u32 @p2 $0xffff, v15;
	v11 =	vpsel p1, v11, v16;
	v62 =	vadd.f32 $0.0e+00, v61;
	p4 =	por @!p0 p0, p0;
	s3 =	spop @p0 (v2sf);
	s13 =	sld [smem:$0x7F2]  }
0xe6: {  	vm2 =	veq.f32 @p1 v12, v11;
	s3 =	sadd.s32 @p0 s10, s3;
	p4 =	por !p4, !p0  }
0xe7: {  	v11 =	vmctz.xlane @p1 vm2;
	v63 =	vbroadcast v62, $0xF;
	(v2sf) =	vpush @p3 v14, $0xF;
	s11 =	simm.s32 $0x0;
	s3 =	smov.u32 @p4 s4  }
0xe8: {  	p4 =	seq.s32 s15, $0x1;
	s4 =	spop @p2 (v2sf);
	p6 =	seq.s32 s13, $0x1  }
0xe9: {  	v11 =	vxor.u32 @p1 $0x80000000, v11;
	vm2 =	veq.f32 v59, v63;
	p4 =	por @p5 p4, p4;
	s4 =	smov.u32 @p2 s4;
	p6 =	por !p6, !p3  }
0xea: {  	(xrf0) =	vmax.scan.msk.u32 @p1 $0xffff, v11;
	v11 =	vmctz.xlane vm2;
	s11 =	smov.u32 @p0 s3;
	s22 =	smov.u32 @p6 s5;
	s5 =	simm.f32 $-Inf  }
0xeb: {  	v12, _, _ =	vpop @p2 (xrf0);
	(v2sf) =	vpush v61, $0xF;
	s3 =	sadd.s32 @p0 $0x10, s10;
	s10 =	simm.s32 $0x80000000;
	s5 =	smov.u32 @p3 s22  }
0xec: {  	v11 =	vxor.u32 $0x80000000, v11;
	(v2sf) =	vpush @p2 v12, $0xF;
	p4 =	por @!p5 p0, p0;
	s10 =	smov.u32 @p0 s3;
	p0 =	sgt.f32 @p2 s4, s5  }
0xed: {  	s12 =	simm.s32 $0x80000000;
	(xrf0) =	vmax.scan.msk.u32 $0xffff, v11;
	s23 =	sld [smem:$0x7F2];
	p4 =	por @p5 p4, p4  }
0xee: {  	s3 =	simm.s32 @!p0 $0x0;
	p4 =	por @!p5 p0, p0;
	p6 =	por !p0, !p2  }
0xef: {  	s3 =	simm.s32 @p0 $0x1;
	p4 =	por !p4, !p5;
	s4 =	smov.u32 @p6 s5  }
0xf0: {  	v11, _, _ =	vpop @p1 (xrf0);
	p0 =	seq.s32 s23, $0x1;
	[smem:$0x7F3] =	sst s3;
	s3 =	spop @p5 (v2sf)  }
0xf1: {  	s5 =	simm.s32 $0x0;
	(v2sf) =	vpush @p1 v11, $0xF;
	p0 =	por @p3 p0, p0;
	s3 =	sadd.s32 @p5 s10, s3  }
0xf2: {  	s10 =	sadd.s32 @p5 $0x10, s10;
	p0 =	por @!p3 p0, p0;
	s24 =	sld [smem:$0x7F3]  }
0xf3: {  	v11, _, _ =	vpop (xrf0);
	s3 =	smov.u32 @p4 s11;
	s11 =	simm.s32 $0x80000000;
	p0 =	por @p3 p0, p0  }
0xf4: {  	s5 =	smov.u32 @p5 s3;
	s11 =	smov.u32 @p5 s10;
	s3 =	spop @p1 (v2sf);
	(v2sf) =	vpush v11, $0xF  }
0xf5: {  	s10 =	simm.f32 $-Inf;
	p0 =	por @!p3 p0, p0;
	s3 =	smov.u32 @p1 s3  }
0xf6: {  	s10 =	smov.u32 @p2 s4;
	p4 =	seq.s32 s24, $0x1;
	s4 =	spop @p3 (v2sf)  }
0xf7: {  	p4 =	por @p2 p4, p4;
	s4 =	sadd.s32 @p3 s11, s4;
	s11 =	sadd.s32 @p3 $0x10, s11  }
0xf8: {  	p4 =	por @!p2 p0, p0;
	p0 =	por !p0, !p3;
	s12 =	smov.u32 @p3 s11  }
0xf9: {  	s4 =	smov.u32 @p0 s5;
	p0 =	sgt.f32 @p1 s3, s10;
	s5 =	simm.s32 $0x0  }
0xfa: {  	p4 =	por @p2 p4, p4;
	s5 =	smov.u32 @p3 s4;
	s4 =	spop (v2sf)  }
0xfb: {  	p3 =	por !p0, !p1;
	p0 =	por @p1 p0, p0;
	s11 =	spop @p2 (v2sf)  }
0xfc: {  	p4 =	por @!p2 p0, p0;
	p0 =	por @!p1 p0, p0;
	s11 =	sadd.s32 @p2 s12, s11  }
0xfd: {  	s3 =	smov.u32 @p3 s10;
	s10 =	simm.s32 $0x80000000;
	p4 =	por !p4, !p2  }
0xfe: {  	p0 =	por @p1 p0, p0;
	s31 =	smov.u32 @p1 s3;
	s3 =	simm.s32 $0x0  }
0xff: {  	s11 =	smov.u32 @p4 s5;
	p0 =	por @!p1 p0, p0;
	s5 =	sadd.s32 @p2 $0x10, s12  }
0x100: {  	s3 =	smov.u32 @p2 s11;
	s10 =	smov.u32 @p2 s5;
	s11 =	spop @p1 (v2sf)  }
0x101: {  	p2 =	sgt.f32 s4, s31;
	p0 =	por !p0, !p1;
	s5 =	sadd.s32 @p1 s10, s11  }
0x102: {  	s5 =	smov.u32 @p0 s3;
	s3 =	sadd.s32 @p1 $0x10, s10  }
0x103: {  	p6 =	por p2, p2;
	s25 =	spop (v2sf);
	s0 =	smov.u32 @p1 s3  }
0x104: {  	p0 =	por p6, p6;
	s1 =	smov.u32 @p1 s5;
	s0 =	sadd.s32 s0, s25  }
0x105: {  	s31 =	smov.u32 @p2 s4;
	s1 =	smov.u32 @p0 s0  }
.LBB2_33:
0x106: {  	v11 =	vmov s1;
	_ =	sdelay $0x3  }
0x107: {  	v12 =	vmov s31  }
0x108: {  	s0 =	sand.u32 $0xF, s30;
	s31 =	sshrl.u32 s30, $0x4;
	v12 =	vadd.f32 $0.0e+00, v12;
	v13 =	vld.idx.msk [tilespmem:v11+s17+$0x0], $0xffff  }
0x109: {  	vm2 =	vmmov vm1;
	vm4 =	vmmov vm1;
	v14 =	vmov s0;
	p0 =	seq.s32 s31, $0x0  }
0x10a: {  	vm3 =	veq.s32 v14, v2;
	vm2 =	vmneg @p0 vm2;
	p0 =	seq.s32 s31, $0x1;
	v12 =	vbroadcast v12, $0x0  }
0x10b: {  	vm5 =	vmmov vm1;
	vm2 =	vmand vm3, vm2;
	vm4 =	vmneg @p0 vm4;
	p0 =	seq.s32 s31, $0x2  }
0x10c: {  	vm5 =	vmneg @p0 vm5;
	v6 =	vsel vm2, v12, v6  }
0x10d: {  	s30 =	sadd.s32 $0x1, s30;
	p0 =	seq.s32 s31, $0x3;
	v7 =	vsel vm2, v13, v7;
	vm2 =	vmand vm3, vm4;
	vm4 =	vmmov vm1  }
0x10e: {  	vm4 =	vmneg @p0 vm4;
	p0 =	sne.s32 s30, $0x40  }
.Ltmp6:
0x10f: {  	_ = 	snop;
	(pc) =	sbr.rel @!p0 .LBB2_34-.Ltmp6, $4  }
0x110: {  	vm5 =	vmand vm3, vm5  }
0x111: {  	v9 =	vsel vm5, v12, v9  }
0x112: {  	[tilespmem:v11+s18+$0x0] =	vst.idx.msk $0x1, v1;
	v10 =	vsel vm2, v12, v10;
	v8 =	vsel vm2, v13, v8;
	vm2 =	vmand vm3, vm4  }
0x113: {  	v5 =	vsel vm5, v13, v5;
	v3 =	vsel vm2, v12, v3;
	v4 =	vsel vm2, v13, v4  }
.LBB2_9:
0x114: {  	s0 =	sld [smem:$0x7FD];
	_ =	sdelay $0x2  }
0x115: {  	p0 =	seq.s32 s0, $0x1  }
.Ltmp7:
0x116: {  	_ = 	snop;
	(pc) =	sbr.rel @p0 .LBB2_33-.Ltmp7, $2  }
0x117: {  	_ =	sdelay $0x2  }
0x118: {  	s31 =	simm.f32 $-Inf;
	s1 =	simm.s32 $0x0  }
0x119: {  	p0 =	sne.s32 s29, $0x1  }
.Ltmp8:
0x11a: {  	_ = 	snop;
	(pc) =	sbr.rel @!p0 .LBB2_11-.Ltmp8, $3  }
0x11b: {  	_ =	sdelay $0x1  }
0x11c: {  	s10 =	simm.s32 $0x8000;
	s0 =	simm.s32 $0x80000000;
	s3 =	sadd.s32 $0xFFFFFFFF, s29  }
0x11d: {  	p2 =	por $0x0, $0x0;
	p3 =	por $0x0, $0x0;
	p5 =	por $0x0, $0x0  }
0x11e: {  	p0 =	sne.s32 s3, $0x1  }
.Ltmp9:
0x11f: {  	_ = 	snop;
	(pc) =	sbr.rel @!p0 .LBB2_13-.Ltmp9, $2  }
0x120: {  	_ =	sdelay $0x2  }
0x121: {  	s3 =	sadd.s32 $0xFFFFFFFF, s3  }
0x122: {  	p0 =	sne.s32 s3, $0x1  }
.Ltmp10:
0x123: {  	_ = 	snop;
	(pc) =	sbr.rel @!p0 .LBB2_15-.Ltmp10, $2  }
0x124: {  	_ =	sdelay $0x2  }
0x125: {  	s3 =	sadd.s32 $0xFFFFFFFF, s3;
	v14 =	vld [tilespmem:s10+$0x0];
	p2 =	por $0x1, $0x1  }
0x126: {  	p0 =	sne.s32 s3, $0x1  }
.Ltmp11:
0x127: {  	_ = 	snop;
	(pc) =	sbr.rel @!p0 .LBB2_17-.Ltmp11, $3  }
0x128: {  	_ =	sdelay $0x1  }
0x129: {  	s11 =	simm.s32 $0x8010  }
0x12a: {  	s3 =	sadd.s32 $0xFFFFFFFF, s3;
	p3 =	por $0x1, $0x1;
	v11 =	vld [tilespmem:s11+$0x0];
	(xrf0) =	vmax.scan.msk.f32 $0xffff, v14  }
0x12b: {  	_ =	sdelay $0x2  }
0x12c: {  	p0 =	sne.s32 s3, $0x1  }
.Ltmp12:
0x12d: {  	_ = 	snop;
	(pc) =	sbr.rel @!p0 .LBB2_19-.Ltmp12, $4  }
0x12e: {  	v12, _, _ =	vpop (xrf0)  }
0x12f: {  	v15 =	vadd.f32 $0.0e+00, v12  }
0x130: {  	s11 =	simm.s32 $0x8020  }
0x131: {  	s3 =	sadd.s32 $0xFFFFFFFF, s3;
	v13 =	vld [tilespmem:s11+$0x0];
	(xrf0) =	vmax.scan.msk.f32 $0xffff, v11;
	(v2sf) =	vpush v12, $0xF;
	v17 =	vbroadcast v15, $0xF  }
0x132: {  	_ =	sdelay $0x2  }
0x133: {  	p0 =	sne.s32 s3, $0x1  }
.Ltmp13:
0x134: {  	vm2 =	veq.f32 v14, v17;
	(pc) =	sbr.rel @!p0 .LBB2_21-.Ltmp13, $4  }
0x135: {  	v14 =	vmctz.xlane vm2;
	v12, _, _ =	vpop (xrf0)  }
0x136: {  	v16 =	vadd.f32 $0.0e+00, v12  }
0x137: {  	s11 =	simm.s32 $0x8030;
	v14 =	vxor.u32 $0x80000000, v14;
	(xrf0) =	vmax.scan.msk.f32 $0xffff, v13  }
0x138: {  	s3 =	sadd.s32 $0xFFFFFFFF, s3;
	v15 =	vld [tilespmem:s11+$0x0];
	(v2sf) =	vpush v12, $0xF;
	(xrf0) =	vmax.scan.msk.u32 $0xffff, v14;
	v17 =	vbroadcast v16, $0xF  }
0x139: {  	p0 =	por $0x1, $0x1  }
0x13a: {  	s4 =	simm.s32 @!p0 $0x0  }
0x13b: {  	s4 =	simm.s32 @p0 $0x1;
	p0 =	sne.s32 s3, $0x1  }
.Ltmp14:
0x13c: {  	vm2 =	veq.f32 v11, v17;
	(pc) =	sbr.rel @!p0 .LBB2_23-.Ltmp14, $4  }
0x13d: {  	v12 =	vmctz.xlane vm2;
	v11, _, _ =	vpop (xrf0)  }
0x13e: {  	v14 =	vadd.f32 $0.0e+00, v11  }
0x13f: {  	s11 =	simm.s32 $0x8040;
	(xrf0) =	vmax.scan.msk.f32 $0xffff, v15;
	(v2sf) =	vpush v11, $0xF;
	v11 =	vxor.u32 $0x80000000, v12;
	v17, _, _ =	vpop (xrf0)  }
0x140: {  	[smem:$0x7FC] =	sst s4;
	s4 =	sadd.s32 $0xFFFFFFFF, s3;
	v12 =	vld [tilespmem:s11+$0x0];
	s22 =	spop (v2sf);
	(xrf0) =	vmax.scan.msk.u32 $0xffff, v11;
	(v2sf) =	vpush v17, $0xF;
	v16 =	vbroadcast v14, $0xF  }
0x141: {  	_ = 	snop  }
0x142: {  	vm2 =	veq.f32 v13, v16  }
0x143: {  	v14 =	vmctz.xlane vm2;
	_ =	sdelay $0x2  }
0x144: {  	v11, _, _ =	vpop (xrf0)  }
0x145: {  	v17 =	vadd.f32 $0.0e+00, v11;
	(v2sf) =	vpush v11, $0xF;
	v11 =	vxor.u32 $0x80000000, v14;
	v14, _, _ =	vpop (xrf0)  }
0x146: {  	s23 =	spop (v2sf);
	(v2sf) =	vpush v14, $0xF;
	_ =	sdelay $0x6  }
0x147: {  	p4 =	sgt.f32 s22, s31;
	p0 =	sne.s32 s4, $0x1  }
.Ltmp15:
0x148: {  	_ = 	snop;
	(pc) =	sbr.rel @!p0 .LBB2_25-.Ltmp15, $4  }
0x149: {  	p6 =	por p4, p4  }
0x14a: {  	s5 =	simm.s32 @!p6 $0x0  }
0x14b: {  	s3 =	simm.f32 $-Inf;
	s11 =	simm.s32 $0x8050;
	(xrf0) =	vmax.scan.msk.f32 $0xffff, v12;
	s5 =	simm.s32 @p6 $0x1  }
0x14c: {  	s4 =	sadd.s32 $0xFFFFFFFF, s4;
	v19 =	vld [tilespmem:s11+$0x0];
	s3 =	smov.u32 @p4 s22;
	[smem:$0x7F6] =	sst s5;
	(xrf0) =	vmax.scan.msk.u32 $0xffff, v11;
	v20 =	vbroadcast v17, $0xF  }
0x14d: {  	_ = 	snop  }
0x14e: {  	vm2 =	veq.f32 v15, v20  }
0x14f: {  	v14 =	vmctz.xlane vm2;
	_ =	sdelay $0x2  }
0x150: {  	v11, _, _ =	vpop (xrf0)  }
0x151: {  	p0 =	por $0x1, $0x1;
	v17 =	vadd.f32 $0.0e+00, v11;
	(v2sf) =	vpush v11, $0xF;
	v11 =	vxor.u32 $0x80000000, v14;
	v14, _, _ =	vpop (xrf0)  }
0x152: {  	s5 =	simm.s32 @!p0 $0x0;
	(v2sf) =	vpush v14, $0xF  }
0x153: {  	p4 =	sgt.f32 s23, s3;
	p1 =	por $0x1, $0x1;
	s5 =	simm.s32 @p0 $0x1  }
0x154: {  	s24 =	smov.u32 s3;
	[smem:$0x7F9] =	sst s5;
	s5 =	simm.s32 @!p1 $0x0  }
0x155: {  	p6 =	por p6, p6;
	p0 =	sne.s32 s4, $0x1;
	s5 =	simm.s32 @p1 $0x1  }
.Ltmp16:
0x156: {  	[smem:$0x7F7] =	sst s5;
	s5 =	simm.s32 @!p6 $0x0;
	(pc) =	sbr.rel @!p0 .LBB2_27-.Ltmp16, $4  }
0x157: {  	s24 =	smov.u32 @p4 s23;
	p4 =	por p4, p4;
	s5 =	simm.s32 @p6 $0x1  }
0x158: {  	[smem:$0x7F4] =	sst s5;
	s5 =	simm.s32 @!p4 $0x0  }
0x159: {  	s11 =	simm.s32 $0x8060;
	(xrf0) =	vmax.scan.msk.f32 $0xffff, v19;
	s5 =	simm.s32 @p4 $0x1  }
0x15a: {  	s13 =	spop (v2sf);
	v22 =	vld [tilespmem:s11+$0x0];
	s4 =	sadd.s32 $0xFFFFFFFF, s4;
	(xrf0) =	vmax.scan.msk.u32 $0xffff, v11;
	v21 =	vbroadcast v17, $0xF;
	[smem:$0x7F5] =	sst s5  }
0x15b: {  	_ =	sdelay $0x3  }
0x15c: {  	v11, _, _ =	vpop (xrf0)  }
0x15d: {  	(v2sf) =	vpush v11, $0xF;
	v18, _, _ =	vpop (xrf0)  }
0x15e: {  	(v2sf) =	vpush v18, $0xF  }
0x15f: {  	p0 =	por $0x1, $0x1;
	p5 =	sne.s32 s4, $0x1;
	p1 =	por p4, p4  }
0x160: {  	p4 =	sgt.f32 s13, s24;
	s11 =	simm.s32 $0x8070;
	s15 =	spop (v2sf);
	vm2 =	veq.f32 v12, v21  }
0x161: {  	s25 =	smov.u32 s24;
	s5 =	simm.s32 @!p0 $0x0;
	s12 =	sadd.s32 $0x80000000, s15;
	v14 =	vmctz.xlane vm2  }
.Ltmp17:
0x162: {  	s5 =	simm.s32 @p0 $0x1;
	p0 =	por $0x1, $0x1;
	(xrf0) =	vmax.scan.msk.f32 $0xffff, v22;
	(pc) =	sbr.rel @!p5 .LBB2_29-.Ltmp17, $4  }
0x163: {  	s15 =	simm.s32 $0x80000000;
	[smem:$0x7F8] =	sst s5;
	s5 =	simm.s32 @!p0 $0x0;
	v14 =	vxor.u32 $0x80000000, v14;
	v17 =	vadd.f32 $0.0e+00, v11;
	v11 =	vld [tilespmem:s11+$0x0]  }
0x164: {  	s25 =	smov.u32 @p4 s13;
	s5 =	simm.s32 @p0 $0x1;
	p0 =	por p1, p1  }
0x165: {  	[smem:$0x7FA] =	sst s5;
	s5 =	sadd.s32 $0xFFFFFFFF, s4;
	s4 =	simm.s32 $0x0;
	(xrf0) =	vmax.scan.msk.u32 $0xffff, v14;
	v17 =	vbroadcast v17, $0xF  }
0x166: {  	s4 =	smov.u32 @p6 s12;
	p6 =	por p4, p4;
	s12 =	spop (v2sf);
	v18 =	vmov v22;
	v14 =	vmov v19  }
.LBB2_30:
0x167: {  	p5 =	sne.s32 s5, $0x1;
	s5 =	sadd.s32 $0xFFFFFFFF, s5;
	vm2 =	veq.f32 v14, v17;
	p4 =	sgt.f32 s12, s25;
	v14 =	vmov v18  }
.Ltmp18:
0x168: {  	s11 =	sadd.s32 $0x10, s11;
	(xrf0) =	vmax.scan.msk.f32 $0xffff, v11;
	v17, _, _ =	vpop (xrf0);
	v26 =	vmctz.xlane vm2;
	v18 =	vmov v11;
	(pc) =	sbr.rel @p5 .LBB2_30-.Ltmp18, $4  }
0x169: {  	s15 =	sadd.s32 $0x10, s15;
	v11 =	vld [tilespmem:s11+$0x0];
	v24 =	vadd.f32 $0.0e+00, v17;
	(v2sf) =	vpush v17, $0xF;
	s25 =	smov.u32 @p4 s12;
	s12 =	spop (v2sf)  }
0x16a: {  	v25 =	vxor.u32 $0x80000000, v26;
	s12 =	sadd.s32 s15, s12  }
0x16b: {  	v17 =	vbroadcast v24, $0xF;
	(xrf0) =	vmax.scan.msk.u32 $0xffff, v25;
	v23, _, _ =	vpop (xrf0);
	s4 =	smov.u32 @p0 s12;
	p0 =	por p6, p6;
	p6 =	por p4, p4  }
0x16c: {  	s12 =	spop (v2sf);
	(v2sf) =	vpush v23, $0xF  }
0x16d: {  	_ = 	snop  }
.Ltmp19:
0x16e: {  	(pc) =	sbr.rel .LBB2_32-.Ltmp19, $4  }
0x16f: {  	p1 =	por $0x1, $0x1  }
0x170: {  	s5 =	simm.s32 @!p1 $0x0  }
0x171: {  	s5 =	simm.s32 @p1 $0x1  }
0x172: {  	p5 =	por $0x1, $0x1;
	[smem:$0x7FB] =	sst s5  }
.LBB2_13:
0x173: {  	p0 =	por $0x0, $0x0  }
0x174: {  	s3 =	simm.s32 @!p0 $0x0  }
0x175: {  	s3 =	simm.s32 @p0 $0x1;
	p0 =	por $0x0, $0x0  }
0x176: {  	[smem:$0x7F7] =	sst s3;
	s3 =	simm.s32 @!p0 $0x0  }
0x177: {  	s3 =	simm.s32 @p0 $0x1;
	p0 =	por $0x0, $0x0  }
0x178: {  	[smem:$0x7F8] =	sst s3;
	s3 =	simm.s32 @!p0 $0x0  }
0x179: {  	s3 =	simm.s32 @p0 $0x1;
	p0 =	por $0x0, $0x0  }
0x17a: {  	[smem:$0x7F9] =	sst s3;
	s3 =	simm.s32 @!p0 $0x0  }
0x17b: {  	s3 =	simm.s32 @p0 $0x1;
	p0 =	por $0x1, $0x1  }
.Ltmp20:
0x17c: {  	[smem:$0x7FA] =	sst s3;
	s3 =	simm.s32 @!p0 $0x0;
	(pc) =	sbr.rel .LBB2_32-.Ltmp20, $4  }
0x17d: {  	s25 =	simm.f32 $-Inf;
	s3 =	simm.s32 @p0 $0x1;
	p0 =	por $0x0, $0x0  }
0x17e: {  	s11 =	simm.s32 $0x8000;
	[smem:$0x7FB] =	sst s3;
	s3 =	simm.s32 @!p0 $0x0  }
0x17f: {  	s15 =	simm.s32 $0x80000000;
	s4 =	simm.s32 $0x0;
	s3 =	simm.s32 @p0 $0x1  }
0x180: {  	s24 =	simm.f32 $-Inf;
	[smem:$0x7FC] =	sst s3;
	s3 =	simm.f32 $-Inf  }
.LBB2_15:
0x181: {  	p0 =	por $0x0, $0x0  }
0x182: {  	s3 =	simm.s32 @!p0 $0x0  }
0x183: {  	s3 =	simm.s32 @p0 $0x1;
	p0 =	por $0x0, $0x0  }
0x184: {  	[smem:$0x7F7] =	sst s3;
	s3 =	simm.s32 @!p0 $0x0  }
0x185: {  	s3 =	simm.s32 @p0 $0x1;
	p0 =	por $0x0, $0x0  }
0x186: {  	[smem:$0x7F8] =	sst s3;
	s3 =	simm.s32 @!p0 $0x0  }
0x187: {  	s3 =	simm.s32 @p0 $0x1;
	p0 =	por $0x0, $0x0  }
0x188: {  	[smem:$0x7F9] =	sst s3;
	s3 =	simm.s32 @!p0 $0x0  }
0x189: {  	s3 =	simm.s32 @p0 $0x1;
	p0 =	por $0x1, $0x1  }
.Ltmp21:
0x18a: {  	[smem:$0x7FA] =	sst s3;
	s3 =	simm.s32 @!p0 $0x0;
	(pc) =	sbr.rel .LBB2_32-.Ltmp21, $4  }
0x18b: {  	s25 =	simm.f32 $-Inf;
	s3 =	simm.s32 @p0 $0x1;
	p0 =	por $0x0, $0x0  }
0x18c: {  	s11 =	simm.s32 $0x8000;
	[smem:$0x7FB] =	sst s3;
	s3 =	simm.s32 @!p0 $0x0  }
0x18d: {  	s15 =	simm.s32 $0x80000000;
	s4 =	simm.s32 $0x0;
	s3 =	simm.s32 @p0 $0x1  }
0x18e: {  	s24 =	simm.f32 $-Inf;
	v11 =	vmov v14;
	[smem:$0x7FC] =	sst s3;
	s3 =	simm.f32 $-Inf  }
.LBB2_17:
0x18f: {  	p0 =	por $0x0, $0x0  }
0x190: {  	s3 =	simm.s32 @!p0 $0x0  }
0x191: {  	s3 =	simm.s32 @p0 $0x1;
	p0 =	por $0x0, $0x0  }
0x192: {  	[smem:$0x7F7] =	sst s3;
	s3 =	simm.s32 @!p0 $0x0  }
0x193: {  	s3 =	simm.s32 @p0 $0x1;
	p0 =	por $0x0, $0x0  }
0x194: {  	[smem:$0x7F8] =	sst s3;
	s3 =	simm.s32 @!p0 $0x0  }
0x195: {  	s3 =	simm.s32 @p0 $0x1;
	p0 =	por $0x0, $0x0  }
0x196: {  	[smem:$0x7F9] =	sst s3;
	s3 =	simm.s32 @!p0 $0x0  }
0x197: {  	s3 =	simm.s32 @p0 $0x1;
	p0 =	por $0x1, $0x1  }
.Ltmp22:
0x198: {  	[smem:$0x7FA] =	sst s3;
	s3 =	simm.s32 @!p0 $0x0;
	(pc) =	sbr.rel .LBB2_32-.Ltmp22, $4  }
0x199: {  	s3 =	simm.s32 @p0 $0x1;
	p0 =	por $0x0, $0x0  }
0x19a: {  	s25 =	simm.f32 $-Inf;
	[smem:$0x7FB] =	sst s3;
	s3 =	simm.s32 @!p0 $0x0  }
0x19b: {  	s15 =	simm.s32 $0x80000000;
	s4 =	simm.s32 $0x0;
	s3 =	simm.s32 @p0 $0x1  }
0x19c: {  	v18 =	vmov v14;
	s24 =	simm.f32 $-Inf;
	[smem:$0x7FC] =	sst s3;
	s3 =	simm.f32 $-Inf  }
.LBB2_19:
0x19d: {  	p0 =	por $0x0, $0x0  }
0x19e: {  	s3 =	simm.s32 @!p0 $0x0  }
0x19f: {  	s3 =	simm.s32 @p0 $0x1;
	p0 =	por $0x0, $0x0  }
0x1a0: {  	[smem:$0x7F7] =	sst s3;
	s3 =	simm.s32 @!p0 $0x0  }
0x1a1: {  	s3 =	simm.s32 @p0 $0x1;
	p0 =	por $0x0, $0x0  }
0x1a2: {  	[smem:$0x7F8] =	sst s3;
	s3 =	simm.s32 @!p0 $0x0  }
0x1a3: {  	s3 =	simm.s32 @p0 $0x1;
	p0 =	por $0x0, $0x0  }
0x1a4: {  	[smem:$0x7F9] =	sst s3;
	s3 =	simm.s32 @!p0 $0x0  }
0x1a5: {  	s3 =	simm.s32 @p0 $0x1;
	p0 =	por $0x1, $0x1  }
.Ltmp23:
0x1a6: {  	[smem:$0x7FA] =	sst s3;
	s3 =	simm.s32 @!p0 $0x0;
	(pc) =	sbr.rel .LBB2_32-.Ltmp23, $4  }
0x1a7: {  	s3 =	simm.s32 @p0 $0x1;
	p0 =	por $0x1, $0x1  }
0x1a8: {  	s25 =	simm.f32 $-Inf;
	[smem:$0x7FB] =	sst s3;
	s3 =	simm.s32 @!p0 $0x0  }
0x1a9: {  	s15 =	simm.s32 $0x80000000;
	s4 =	simm.s32 $0x0;
	s3 =	simm.s32 @p0 $0x1  }
0x1aa: {  	v18 =	vmov v11;
	s24 =	simm.f32 $-Inf;
	v11 =	vmov v13;
	[smem:$0x7FC] =	sst s3;
	s3 =	simm.f32 $-Inf  }
.LBB2_21:
0x1ab: {  	p0 =	por $0x0, $0x0  }
0x1ac: {  	s3 =	simm.s32 @!p0 $0x0  }
0x1ad: {  	s3 =	simm.s32 @p0 $0x1;
	p0 =	por $0x0, $0x0  }
0x1ae: {  	[smem:$0x7F7] =	sst s3;
	s3 =	simm.s32 @!p0 $0x0  }
0x1af: {  	s3 =	simm.s32 @p0 $0x1;
	p0 =	por $0x0, $0x0  }
0x1b0: {  	[smem:$0x7F8] =	sst s3;
	s3 =	simm.s32 @!p0 $0x0  }
0x1b1: {  	s3 =	simm.s32 @p0 $0x1;
	p0 =	por $0x1, $0x1  }
0x1b2: {  	[smem:$0x7F9] =	sst s3;
	s3 =	simm.s32 @!p0 $0x0  }
0x1b3: {  	s3 =	simm.s32 @p0 $0x1;
	p0 =	por $0x1, $0x1  }
.Ltmp24:
0x1b4: {  	[smem:$0x7FA] =	sst s3;
	s3 =	simm.s32 @!p0 $0x0;
	(pc) =	sbr.rel .LBB2_32-.Ltmp24, $4  }
0x1b5: {  	s3 =	simm.s32 @p0 $0x1;
	p0 =	por $0x1, $0x1  }
0x1b6: {  	s25 =	simm.f32 $-Inf;
	[smem:$0x7FB] =	sst s3;
	s3 =	simm.s32 @!p0 $0x0  }
0x1b7: {  	s15 =	simm.s32 $0x80000000;
	s4 =	simm.s32 $0x0;
	s3 =	simm.s32 @p0 $0x1  }
0x1b8: {  	v14 =	vmov v11;
	v18 =	vmov v13;
	s24 =	simm.f32 $-Inf;
	v11 =	vmov v15;
	[smem:$0x7FC] =	sst s3;
	s3 =	simm.f32 $-Inf  }
.LBB2_23:
0x1b9: {  	p0 =	por $0x0, $0x0  }
0x1ba: {  	s3 =	simm.s32 @!p0 $0x0  }
0x1bb: {  	s3 =	simm.s32 @p0 $0x1;
	p0 =	por $0x0, $0x0  }
0x1bc: {  	[smem:$0x7F7] =	sst s3;
	s3 =	simm.s32 @!p0 $0x0  }
0x1bd: {  	s3 =	simm.s32 @p0 $0x1;
	p0 =	por $0x1, $0x1  }
0x1be: {  	[smem:$0x7F8] =	sst s3;
	s3 =	simm.s32 @!p0 $0x0  }
0x1bf: {  	s3 =	simm.s32 @p0 $0x1;
	p0 =	por $0x1, $0x1  }
.Ltmp25:
0x1c0: {  	[smem:$0x7F9] =	sst s3;
	s3 =	simm.s32 @!p0 $0x0;
	(pc) =	sbr.rel .LBB2_32-.Ltmp25, $4  }
0x1c1: {  	s25 =	simm.f32 $-Inf;
	s3 =	simm.s32 @p0 $0x1;
	p0 =	por $0x1, $0x1  }
0x1c2: {  	s15 =	simm.s32 $0x80000000;
	[smem:$0x7FA] =	sst s3;
	s3 =	simm.s32 @!p0 $0x0  }
0x1c3: {  	s12 =	smov.u32 s22;
	s4 =	simm.s32 $0x0;
	s3 =	simm.s32 @p0 $0x1  }
0x1c4: {  	v18 =	vmovc v15;
	v14 =	vmov v13;
	s24 =	simm.f32 $-Inf;
	v17 =	vmov v16;
	v11 =	vmov v12;
	[smem:$0x7FB] =	sst s3;
	s3 =	simm.f32 $-Inf  }
.LBB2_25:
0x1c5: {  	p0 =	por $0x0, $0x0  }
0x1c6: {  	s4 =	simm.s32 @!p0 $0x0  }
0x1c7: {  	s4 =	simm.s32 @p0 $0x1;
	p0 =	por $0x1, $0x1  }
0x1c8: {  	[smem:$0x7F7] =	sst s4;
	s4 =	simm.s32 @!p0 $0x0  }
0x1c9: {  	s4 =	simm.s32 @p0 $0x1;
	p0 =	por $0x1, $0x1  }
0x1ca: {  	[smem:$0x7F8] =	sst s4;
	s4 =	simm.s32 @!p0 $0x0  }
0x1cb: {  	s4 =	simm.s32 @p0 $0x1;
	p0 =	por $0x1, $0x1  }
.Ltmp26:
0x1cc: {  	[smem:$0x7F9] =	sst s4;
	s4 =	simm.s32 @!p0 $0x0;
	(pc) =	sbr.rel .LBB2_32-.Ltmp26, $4  }
0x1cd: {  	s4 =	simm.s32 @p0 $0x1;
	p0 =	por $0x1, $0x1  }
0x1ce: {  	s12 =	smov.u32 s23;
	[smem:$0x7FA] =	sst s4;
	s4 =	simm.s32 @!p0 $0x0  }
0x1cf: {  	s25 =	smov.u32 s3;
	s15 =	simm.s32 $0x80000000;
	s4 =	simm.s32 @p0 $0x1  }
0x1d0: {  	v14 =	vmovc v15;
	v18 =	vmov v12;
	s24 =	simm.f32 $-Inf;
	v17 =	vmov v20;
	v11 =	vmov v19;
	[smem:$0x7FB] =	sst s4;
	s4 =	simm.s32 $0x0  }
.LBB2_27:
0x1d1: {  	p0 =	por $0x1, $0x1  }
0x1d2: {  	s4 =	simm.s32 @!p0 $0x0  }
0x1d3: {  	s4 =	simm.s32 @p0 $0x1;
	p0 =	por $0x1, $0x1  }
.Ltmp27:
0x1d4: {  	[smem:$0x7F8] =	sst s4;
	s4 =	simm.s32 @!p0 $0x0;
	(pc) =	sbr.rel .LBB2_32-.Ltmp27, $4  }
0x1d5: {  	s12 =	smov.u32 s13;
	s4 =	simm.s32 @p0 $0x1;
	p0 =	por $0x1, $0x1  }
0x1d6: {  	s25 =	smov.u32 s24;
	[smem:$0x7FA] =	sst s4;
	s4 =	simm.s32 @!p0 $0x0  }
0x1d7: {  	s15 =	simm.s32 $0x80000000;
	s4 =	simm.s32 @p0 $0x1;
	p0 =	por p6, p6  }
0x1d8: {  	v14 =	vmovc v12;
	v18 =	vmov v19;
	v17 =	vmov v21;
	v11 =	vmov v22;
	p6 =	por p4, p4;
	[smem:$0x7FB] =	sst s4;
	s4 =	simm.s32 $0x0  }
.LBB2_29:
.Ltmp28:
0x1d9: {  	(pc) =	sbr.rel .LBB2_32-.Ltmp28, $4  }
0x1da: {  	p1 =	por $0x1, $0x1  }
0x1db: {  	s5 =	simm.s32 @!p1 $0x0  }
0x1dc: {  	s5 =	simm.s32 @p1 $0x1  }
0x1dd: {  	v14 =	vmov v19;
	v18 =	vmov v22;
	s15 =	simm.s32 $0x80000000;
	p5 =	por $0x1, $0x1;
	[smem:$0x7FB] =	sst s5  }
.LBB2_34:
0x1de: {  	[tilespmem:$0x18200] =	vst v6  }
0x1df: {  	[tilespmem:$0x18280] =	vst v7  }
0x1e0: {  	[tilespmem:$0x18210] =	vst v10  }
0x1e1: {  	[tilespmem:$0x18290] =	vst v8  }
0x1e2: {  	[tilespmem:$0x18220] =	vst v9  }
0x1e3: {  	[tilespmem:$0x182A0] =	vst v5  }
0x1e4: {  	[tilespmem:$0x18230] =	vst v3  }
0x1e5: {  	[tilespmem:$0x182B0] =	vst v4;
	s0 =	rddreg [dreg:$0x4]  }
0x1e6: {  	[tilespmem:s21], [sflag:$0x1] =	stream.indirect.gather [hbm4b:s0+s19], $0x80, s20, s19, $0xb8;
	[tilespmem:$0x1E300] =	vst v63  }
0x1e7: {  	_ =	swait.ge [sflag:s16], $0x2000  }
0x1e8: {  	[sflag:s16] =	ssyncset.done $0x0  }
0x1e9: {  	s0 =	simm.s32 $0x0;
	[sflag:s16] =	ssyncadd.s32 $0xFFFFE000  }
0x1ea: {  	v3 =	vld [tilespmem:s0+$0x1C310]  }
0x1eb: {  	s1 =	simm.s32 $0x200;
	v4 =	vld [tilespmem:s0+$0x1C300]  }
.LBB2_35:
0x1ec: {  	p0 =	sne.s32 s1, $0x7E00  }
.Ltmp29:
0x1ed: {  	_ = 	snop;
	(pc) =	sbr.rel @p0 .LBB2_35-.Ltmp29, $4  }
0x1ee: {  	_ = 	snop  }
0x1ef: {  	s3 =	sshra.s32 s1, $0x2;
	s1 =	sadd.s32 $0x200, s1;
	[tilespmem:s0+$0x18310] =	vst v3  }
0x1f0: {  	v3 =	vld [tilespmem:s3+$0x1C310];
	[tilespmem:s0+$0x18300] =	vst v4;
	s0 =	smov.u32 s3  }
0x1f1: {  	v4 =	vld [tilespmem:s0+$0x1C300]  }
0x1f2: {  	_ =	sdelay $0x2  }
0x1f3: {  	[tilespmem:s0+$0x18310] =	vst v3  }
0x1f4: {  	s31 =	rddreg [dreg:$0x5];
	[tilespmem:s0+$0x18300] =	vst v4  }
0x1f5: {  	[tilespmem:s21], [sflag:$0x1] =	stream.indirect.gather [hbm4b:s31+s19], $0x80, s20, s19, $0xb8;
	[tilespmem:$0x1E300] =	vst v63  }
0x1f6: {  	_ =	swait.ge [sflag:s16], $0x2000  }
0x1f7: {  	[sflag:s16] =	ssyncset.done $0x0  }
0x1f8: {  	s0 =	simm.s32 $0x0;
	[sflag:s16] =	ssyncadd.s32 $0xFFFFE000  }
0x1f9: {  	v3 =	vld [tilespmem:s0+$0x1C310]  }
0x1fa: {  	s1 =	simm.s32 $0x200;
	v4 =	vld [tilespmem:s0+$0x1C300]  }
.LBB2_37:
0x1fb: {  	p0 =	sne.s32 s1, $0x7E00  }
.Ltmp30:
0x1fc: {  	_ = 	snop;
	(pc) =	sbr.rel @p0 .LBB2_37-.Ltmp30, $4  }
0x1fd: {  	_ = 	snop  }
0x1fe: {  	s3 =	sshra.s32 s1, $0x2;
	s1 =	sadd.s32 $0x200, s1;
	[tilespmem:s0+$0x1A310] =	vst v3  }
0x1ff: {  	v3 =	vld [tilespmem:s3+$0x1C310];
	[tilespmem:s0+$0x1A300] =	vst v4;
	s0 =	smov.u32 s3  }
0x200: {  	v4 =	vld [tilespmem:s0+$0x1C300]  }
0x201: {  	_ = 	snop  }
0x202: {  	s1 =	sshll.u32 s26, $0x4  }
0x203: {  	s3 =	sshll.u32 s28, $0x4;
	s1 =	sand.u32 $0x70, s1  }
0x204: {  	s3 =	sand.u32 $0x3F80, s3;
	s1 =	sadd.s32 s7, s1;
	[tilespmem:s0+$0x1A310] =	vst v3  }
0x205: {  	s25 =	simm.s32 $0x18200;
	s24 =	sadd.s32 s3, s1;
	[tilespmem:s0+$0x1A300] =	vst v4  }
0x206: {  	[hbm4b:s24+s2] =	stream.linear.scatter [tilespmem:s25], [sflag:$0x2], $0x80, $0x38;
	[tilespmem:$0x1E300] =	vst v63  }
0x207: {  	_ =	swait.ge [sflag:s14], $0x80  }
0x208: {  	s28 =	sshll.u32 s28, $0xA;
	[sflag:s14] =	ssyncset.done $0x0  }
0x209: {  	s30 =	simm.s32 $0x18300;
	s29 =	sadd.s32 s8, s28;
	[sflag:s14] =	ssyncadd.s32 $0xFFFFFF80  }
0x20a: {  	[hbm4b:s29+s2] =	stream.linear.scatter [tilespmem:s30], [sflag:$0x2], $0x2000, $0x38;
	[tilespmem:$0x1E300] =	vst v63  }
0x20b: {  	s26 =	sadd.s32 $0x1, s26;
	_ =	swait.ge [sflag:s14], $0x2000  }
0x20c: {  	s31 =	simm.s32 $0x1A300;
	p0 =	sne.s32 s26, $0x20;
	[sflag:s14] =	ssyncset.done $0x0  }
.Ltmp31:
0x20d: {  	s0 =	sadd.s32 s9, s28;
	[sflag:s14] =	ssyncadd.s32 $0xFFFFE000;
	(pc) =	sbr.rel @p0 .LBB2_2-.Ltmp31, $4  }
0x20e: {  	[hbm4b:s0+s2] =	stream.linear.scatter [tilespmem:s31], [sflag:$0x2], $0x2000, $0x38;
	[tilespmem:$0x1E300] =	vst v63  }
0x20f: {  	_ =	swait.ge [sflag:s14], $0x2000  }
0x210: {  	[sflag:s14] =	ssyncset.done $0x0  }
0x211: {  	[sflag:s14] =	ssyncadd.s32 $0xFFFFE000  }
0x212: {  	s1 =	rddreg [dreg:$0x9]  }
0x213: {  	s0 =	rddreg [dreg:$0x8];
	s1 =	sadd.s32 $0x1, s1  }
0x214: {  	p0 =	sne.s32 s1, s0  }
.Ltmp32:
0x215: {  	_ = 	snop;
	(pc) =	sbr.rel @p0 .LBB2_1-.Ltmp32, $1  }
0x216: {  	_ =	sdelay $0x3  }
0x217: {  	_ =	sfence.sel $0x180000  }
0x218: {  	[bflag:$0x0] =	sbarrier.arrive $0xFFFF  }
0x219: {  	_ =	strace $0x9000004A  }
0x21a: {  	s0 =	stileid.u32;
	[bflag:$0x2] =	sbarrier.arrive $0xFFFF  }
0x21b: {  	p0 =	sne.s32 s0, $0x0;
	s0 =	rddreg [dreg:$0x2]  }
0x21c: {  	s0 =	sadd.s32 @!p0 $0x100000, s0  }
0x21d: {  	[sflag:s0] =	ssyncadd.tile.s32 @!p0 $0x1;
	_ =	shalt  }
.Lfunc_end2:
_tile_overlayer_lowered:
.L_overlay_start_2:
0x21e: {  	(tag) =	ssettag $0x2  }
0x21f: {  	s0 =	rddreg [dreg:$0x0];
	s2 =	stileid.u32  }
0x220: {  	s1 =	rddreg [dreg:$0x1];
	p0 =	sne.s32 s2, $0x0  }
0x221: {  	s3 =	rddreg [dreg:$0x2];
	[bflag:$0x3] =	sbarrier.arrive $0xFFFF;
	s2 =	simm.s32 @!p0 $0x1C02  }
0x222: {  	[timem:s3], [sflag:s2] =	dma.local @!p0 [hbm:s0], s1  }
0x223: {  	s0 =	simm.s32 @!p0 $0x2  }
0x224: {  	_ =	swait.ge @!p0 [sflag:s0], s1  }
0x225: {  	s1 =	ssub.s32 @!p0 $0x0, s1;
	[sflag:s0] =	ssyncset.done @!p0 $0x0  }
0x226: {  	[sflag:s0] =	ssyncadd.s32 @!p0 s1  }
0x227: {  	[bflag:$0x3] =	sbarrier.arrive $0xFFFF  }
0x228: {  	_ =	shalt  }

// kernel: sparse-core-data-format-call.cloned.1.call-start
scs
called_computation_lowered:
.L_overlay_start_0:
0x0: {  	s2 =	sld [smem:$0x3FD9]  }
0x1: {  	s3 =	sld [smem:$0x3FFE];
	_ =	sdelay $0x1  }
0x2: {  	s1 =	srdreg.scid  }
0x3: {  	s0 =	sand.u32 $0x1, s1  }
0x4: {  	s18 =	sshll.u32 s0, $0xA;
	s2 =	sadd.s32 s3, s2  }
0x5: {  	s2 =	sadd.s32 s2, s18  }
0x6: {  	[smem:$0x3FC3] =	sst s2  }
0x7: {  	_ = 	snop  }
0x8: {  	s2 =	sld [smem:$0x3FC9];
	(tm) =	ssettm $0x1  }
0x9: {  	s19 =	sld [smem:$0x3FFB];
	_ =	sdelay $0x3  }
0xa: {  	_ =	strace s19  }
0xb: {  	s3 =	sld [smem:$0x3FFC];
	_ =	sdelay $0x3  }
0xc: {  	_ =	strace s3  }
0xd: {  	s3 =	sld [smem:$0x3FFD];
	_ =	sdelay $0x3  }
0xe: {  	_ =	strace s3  }
0xf: {  	_ =	strace $0x8FFFFFFF  }
0x10: {  	s20 =	sld [smem:$0x3FDB];
	_ =	sdelay $0x1  }
0x11: {  	s4 =	simm.s32 $_scs_section_size  }
0x12: {  	s5 =	simm.s32 $_size__tile_overlayer_lowered;
	s6 =	simm.s32 $_tile_overlayer_lowered  }
0x13: {  	s23 =	simm.s32 $0x1BFF;
	s22 =	sshll.u32 s6, $0x1;
	s3 =	sadd.s32 s4, s20  }
0x14: {  	s7 =	simm.s32 $0x0;
	s21 =	sshll.u32 s5, $0x1;
	s5 =	sadd.s32 s22, s3  }
0x15: {  	[timem:s7], [sflag:s23] =	dma.local [hbm:s5], s21  }
0x16: {  	_ =	swait.ge [sflag:s23], s21  }
0x17: {  	s4 =	ssub.s32 $0x0, s21;
	[sflag:s23] =	ssyncset.done $0x0  }
0x18: {  	[sflag:s23] =	ssyncadd.s32 s4;
	_ =	sdelay $0x1  }
0x19: {  	s24 =	simm.s32 $0x1B8B  }
0x1a: {  	_ =	swait.ge [sflag:s24], $0x1  }
0x1b: {  	[sflag:s24] =	ssyncset.done $0x0  }
0x1c: {  	s26 =	simm.s32 $0x1B8E;
	s25 =	sld [smem:$0x3FFE];
	[sflag:s24] =	ssyncadd.s32 $0xFFFFFFFF  }
0x1d: {  	s27 =	simm.s32 $execute0_lowered;
	[smem:$0x3FD2] =	sst s26  }
0x1e: {  	s5 =	sshll.u32 s27, $0x1;
	_ =	strace $0x80000046;
	[dreg:$0x1] =	wrdreg $0xFFFFFFFF  }
0x1f: {  	s28 =	simm.s32 $_size_execute0_lowered;
	s3 =	sadd.s32 s3, s5;
	[dreg:$0x0] =	wrdreg $0x0  }
0x20: {  	s5 =	sshll.u32 s28, $0x1;
	[dreg:$0x2] =	wrdreg s3  }
0x21: {  	[dreg:$0x3] =	wrdreg s5  }
0x22: {  	[dreg:$0x4] =	wrdreg $0xC0  }
0x23: {  	_ =	task [dreg:s7], $0x5FFFF  }
0x24: {  	[dreg:$0x1] =	wrdreg $0xFFFFFFFF  }
0x25: {  	[dreg:$0x0] =	wrdreg $0x60  }
0x26: {  	[dreg:$0x2] =	wrdreg s2  }
0x27: {  	[dreg:$0x3] =	wrdreg s25  }
0x28: {  	[dreg:$0x4] =	wrdreg $0x9  }
0x29: {  	_ =	task.clear_ibuf [dreg:s7], $0x5FFFF;
	_ =	strace $0x90000046  }
0x2a: {  	s29 =	simm.s32 $0x9;
	_ =	strace $0x80000048  }
0x2b: {  	_ =	swait.ge [sflag:s29], $0x1  }
0x2c: {  	[sflag:s29] =	ssyncadd.s32 $0xFFFFFFFF  }
0x2d: {  	_ =	strace $0x90000048  }
0x2e: {  	_ =	sfence  }
0x2f: {  	s30 =	sld [smem:$0x0];
	_ =	sdelay $0x2  }
0x30: {  	s31 =	sshll.u32 s1, $0xD;
	s1 =	sshrl.u32 s1, $0x2  }
0x31: {  	s3 =	sand.u32 $0x4000, s31;
	s1 =	sadd.s32 s1, s30  }
0x32: {  	s0 =	sor.u32 s3, s0;
	s1 =	sshll.u32 s1, $0x11  }
0x33: {  	s0 =	sor.u32 s1, s0  }
0x34: {  	s0 =	sadd.s32 $0x8F2B, s0  }
0x35: {  	[sflag:s0] =	ssyncadd.remote.s32 $0x1  }
0x36: {  	_ =	sfence.sel $0xFFFF  }
0x37: {  	[dreg:$0x0] =	wrdreg $0xFFFFFFFF;
	(pc) =	sbr.abs _section_cstart, $3  }
0x38: {  	[dreg:$0x1] =	wrdreg $0xFFFFFFFF  }
0x39: {  	_ =	task.clear_ibuf [dreg:s7], $0x2FFFF;
	_ =	strace $0x9FFFFFFF  }
0x3a: {  	(tm) =	ssettm $0x7FFFFFFF  }
0x3b: {  	_ =	shalt  }
tec
execute0_lowered:
.L_overlay_start_1:
0x0: {  	(tag) =	ssettag $0x1  }
0x1: {  	s2 =	rddreg [dreg:$0x0]  }
0x2: {  	s1 =	rddreg [dreg:$0x1]  }
0x3: {  	s0 =	rddreg [dreg:$0x2];
	_ =	strace $0x80000047;
	s4 =	srdreg.scid  }
0x4: {  	s6 =	simm.s32 $0x2;
	s11 =	simm.s32 $0x0;
	p0 =	por $0x0, $0x0  }
.Ltmp0:
0x5: {  	s7 =	simm.s32 $0x8000;
	s12 =	simm.s32 $0x0;
	(pc) =	sbr.rel .LBB1_1-.Ltmp0, $4  }
0x6: {  	s9 =	simm.s32 $0x0;
	s3 =	sadd.s32 $0x1200, s1;
	s5 =	sshll.u32 s4, $0x4  }
0x7: {  	s1 =	stileid.u32;
	s4 =	simm.s32 $0x1;
	s5 =	sand.u32 $0x10, s5  }
0x8: {  	s8 =	simm.s32 $0x0;
	[sflag:s4] =	ssyncpa.u1 $0x0;
	s5 =	sor.u32 s1, s5  }
0x9: {  	[sflag:s6] =	ssyncpa.u1 $0x0;
	s6 =	simm.s32 $0x800;
	s10 =	smov.u32 s5  }
.LBB1_7:
0xa: {  	s13 =	sadd.s32 $0x10, s9  }
0xb: {  	s11 =	sadd.s32 $0x20, s10;
	s15 =	smov.u32 s10;
	p2 =	sgt.s32 s13, $0xFF  }
0xc: {  	p1 =	slt.u32 s8, $0x2;
	s15 =	smov.u32 @p2 s11  }
0xd: {  	s8 =	sadd.s32 $0x1, s8;
	s13 =	simm.s32 @p2 $0x0;
	p2 =	sgt.s32 s15, $0x7F  }
0xe: {  	s15 =	smov.u32 @p2 s5;
	p2 =	sne.s32 s8, $0x42  }
.Ltmp1:
0xf: {  	_ = 	snop;
	(pc) =	sbr.rel @!p2 .LBB1_8-.Ltmp1, $4  }
0x10: {  	s14 =	simm.s32 @!p1 $0x2  }
0x11: {  	s12 =	smov.u32 s10;
	_ =	swait.ge @!p1 [sflag:s14], $0x4000  }
0x12: {  	p0 =	por !p0, !p0;
	s11 =	smov.u32 s9;
	[sflag:s14] =	ssyncset.done @!p1 $0x0  }
0x13: {  	s9 =	smov.u32 s13;
	[sflag:s14] =	ssyncadd.s32 @!p1 $0xFFFFC000;
	s10 =	smov.u32 s15  }
.LBB1_1:
0x14: {  	p1 =	sgt.u32 s8, $0x3F  }
0x15: {  	s13 =	sxor.u32 @!p1 $0xFFFFFFFF, s8;
	s14 =	sshll.u32 @!p1 s10, $0xF  }
0x16: {  	s15 =	sshll.u32 @!p1 s9, $0x7;
	s13 =	sshll.u32 @!p1 s13, $0xE;
	s14 =	sadd.s32 @!p1 s2, s14  }
0x17: {  	s13 =	sand.u32 @!p1 $0x4000, s13;
	s14 =	sadd.s32 @!p1 s15, s14;
	s15 =	simm.s32 @!p1 $0x0  }
0x18: {  	[tilespmem:s13], [sflag:$0x1] =	stream.linear.gather @!p1 [hbm4b:s14+s15], $0x4000, $0x38;
	[tilespmem:$0x10000] =	vst v63  }
0x19: {  	p1 =	seq.s32 s8, $0x0  }
0x1a: {  	p2 =	seq.s32 @!p1 s8, $0x41  }
0x1b: {  	p1 =	por p1, p2  }
.Ltmp2:
0x1c: {  	_ = 	snop;
	(pc) =	sbr.rel @p1 .LBB1_7-.Ltmp2, $1  }
0x1d: {  	_ =	sdelay $0x3  }
0x1e: {  	s13 =	simm.s32 $0x1;
	_ =	swait.ge [sflag:s4], $0x4000;
	s16 =	sshll.u32 s8, $0xE  }
0x1f: {  	s13 =	simm.s32 @!p0 $0x0;
	[sflag:s4] =	ssyncset.done $0x0;
	s31 =	sand.u32 $0x4000, s16  }
0x20: {  	s16 =	simm.s32 $0x0;
	s14 =	sshll.u32 s13, $0xE;
	[sflag:s4] =	ssyncadd.s32 $0xFFFFC000  }
0x21: {  	s13 =	sor.u32 $0x8040, s14;
	s15 =	sor.u32 $0x40, s14;
	s14 =	sor.u32 $0x8000, s31  }
.LBB1_3:
0x22: {  	v0 =	vmov s15;
	_ =	sdelay $0x3  }
0x23: {  	s18 =	simm.s32 $0x0  }
0x24: {  	v6 =	vld.idx.msk [tilespmem:v0+s18+$0x30 ss:$0x1], $0xffff  }
0x25: {  	v7 =	vld.idx.msk [tilespmem:v0+s18+$0xFFFFFFC0 ss:$0x1], $0xffff  }
0x26: {  	v5 =	vld.idx.msk [tilespmem:v0+s18+$0xFFFFFFD0 ss:$0x1], $0xffff  }
0x27: {  	v4 =	vld.idx.msk [tilespmem:v0+s18+$0xFFFFFFE0 ss:$0x1], $0xffff  }
0x28: {  	v3 =	vld.idx.msk [tilespmem:v0+s18+$0xFFFFFFF0 ss:$0x1], $0xffff  }
0x29: {  	v1 =	vld.idx.msk [tilespmem:v0+s18+$0x0 ss:$0x1], $0xffff  }
0x2a: {  	v2 =	vld.idx.msk [tilespmem:v0+s18+$0x10 ss:$0x1], $0xffff;
	[tilespmem:s13+$0x30] =	vst v6  }
0x2b: {  	s17 =	simm.s32 $0x80;
	s19 =	simm.s32 $0x400;
	[tilespmem:s13+$0xFFFFFFC0] =	vst v7;
	v6 =	vld.idx.msk [tilespmem:v0+s18+$0x20 ss:$0x1], $0xffff;
	s18 =	smov.u32 s13  }
.LBB1_4:
0x2c: {  	p1 =	sne.s32 s19, $0xE00;
	v7 =	vld.idx.msk [tilespmem:v0+s17+$0x30 ss:$0x1], $0xffff;
	[tilespmem:s18+$0xFFFFFFD0] =	vst v5  }
0x2d: {  	v8 =	vld.idx.msk [tilespmem:v0+s17+$0xFFFFFFC0 ss:$0x1], $0xffff;
	[tilespmem:s18+$0xFFFFFFE0] =	vst v4  }
0x2e: {  	v5 =	vld.idx.msk [tilespmem:v0+s17+$0xFFFFFFD0 ss:$0x1], $0xffff;
	[tilespmem:s18+$0xFFFFFFF0] =	vst v3  }
.Ltmp3:
0x2f: {  	v4 =	vld.idx.msk [tilespmem:v0+s17+$0xFFFFFFE0 ss:$0x1], $0xffff;
	[tilespmem:s18+$0x0] =	vst v1;
	(pc) =	sbr.rel @p1 .LBB1_4-.Ltmp3, $4  }
0x30: {  	v3 =	vld.idx.msk [tilespmem:v0+s17+$0xFFFFFFF0 ss:$0x1], $0xffff;
	[tilespmem:s18+$0x10] =	vst v2  }
0x31: {  	v1 =	vld.idx.msk [tilespmem:v0+s17+$0x0 ss:$0x1], $0xffff;
	[tilespmem:s18+$0x20] =	vst v6;
	s18 =	sadd.s32 $0x800, s18  }
0x32: {  	v2 =	vld.idx.msk [tilespmem:v0+s17+$0x10 ss:$0x1], $0xffff;
	[tilespmem:s18+$0x30] =	vst v7  }
0x33: {  	[tilespmem:s18+$0xFFFFFFC0] =	vst v8;
	v6 =	vld.idx.msk [tilespmem:v0+s17+$0x20 ss:$0x1], $0xffff;
	s17 =	sshra.s32 s19, $0x2;
	s19 =	sadd.s32 $0x200, s19  }
0x34: {  	_ =	sdelay $0x2  }
0x35: {  	[tilespmem:s18+$0xFFFFFFD0] =	vst v5  }
0x36: {  	v56 =	vld.idx.msk [tilespmem:v0+s17+$0x30 ss:$0x1], $0xffff;
	[tilespmem:s18+$0xFFFFFFE0] =	vst v4  }
0x37: {  	v57 =	vld.idx.msk [tilespmem:v0+s17+$0xFFFFFFC0 ss:$0x1], $0xffff;
	[tilespmem:s18+$0xFFFFFFF0] =	vst v3  }
0x38: {  	v58 =	vld.idx.msk [tilespmem:v0+s17+$0xFFFFFFD0 ss:$0x1], $0xffff;
	[tilespmem:s18+$0x0] =	vst v1  }
0x39: {  	v59 =	vld.idx.msk [tilespmem:v0+s17+$0xFFFFFFE0 ss:$0x1], $0xffff;
	[tilespmem:s18+$0x10] =	vst v2  }
0x3a: {  	v60 =	vld.idx.msk [tilespmem:v0+s17+$0xFFFFFFF0 ss:$0x1], $0xffff;
	s31 =	sadd.s32 $0x800, s18;
	[tilespmem:s18+$0x20] =	vst v6  }
0x3b: {  	v61 =	vld.idx.msk [tilespmem:v0+s17+$0x0 ss:$0x1], $0xffff;
	[tilespmem:s31+$0x30] =	vst v56  }
0x3c: {  	v62 =	vld.idx.msk [tilespmem:v0+s17+$0x10 ss:$0x1], $0xffff;
	s16 =	sadd.s32 $0x1, s16;
	[tilespmem:s31+$0xFFFFFFC0] =	vst v57  }
0x3d: {  	v63 =	vld.idx.msk [tilespmem:v0+s17+$0x20 ss:$0x1], $0xffff;
	p1 =	sne.s32 s16, $0x10;
	[tilespmem:s31+$0xFFFFFFD0] =	vst v58  }
.Ltmp4:
0x3e: {  	[tilespmem:s31+$0xFFFFFFE0] =	vst v59;
	(pc) =	sbr.rel @p1 .LBB1_3-.Ltmp4, $4  }
0x3f: {  	[tilespmem:s31+$0xFFFFFFF0] =	vst v60  }
0x40: {  	[tilespmem:s31+$0x0] =	vst v61  }
0x41: {  	[tilespmem:s31+$0x10] =	vst v62  }
0x42: {  	s13 =	sadd.s32 $0x80, s13;
	s15 =	sadd.s32 $0x400, s15;
	[tilespmem:s31+$0x20] =	vst v63  }
.Ltmp5:
0x43: {  	(pc) =	sbr.rel .LBB1_7-.Ltmp5, $4  }
0x44: {  	s12 =	sshll.u32 s12, $0xF;
	s11 =	sshll.u32 s11, $0x4  }
0x45: {  	s11 =	sand.u32 $0xFF0, s11;
	s12 =	sadd.s32 s3, s12  }
0x46: {  	s11 =	sadd.s32 s11, s12  }
0x47: {  	[hbm4b:s11+s6] =	stream.strided.scatter [tilespmem:s14], [sflag:$0x2], $0x4000, s7, s6, $0x38;
	[tilespmem:$0x10000] =	vst v63  }
.LBB1_8:
0x48: {  	_ =	sfence.sel $0x180000  }
0x49: {  	s2 =	simm.s32 $0x1;
	[bflag:$0x0] =	sbarrier.arrive $0xFFFF  }
0x4a: {  	s31 =	simm.s32 $0x2;
	[sflag:s2] =	ssyncpa.u1 $0x1  }
0x4b: {  	[sflag:s31] =	ssyncpa.u1 $0x1  }
0x4c: {  	p0 =	sne.s32 s1, $0x0;
	_ =	strace $0x90000047  }
0x4d: {  	s0 =	sadd.s32 @!p0 $0x100000, s0;
	[bflag:$0x2] =	sbarrier.arrive $0xFFFF  }
0x4e: {  	[sflag:s0] =	ssyncadd.tile.s32 @!p0 $0x1;
	_ =	shalt  }
.Lfunc_end1:
_tile_overlayer_lowered:
.L_overlay_start_2:
0x4f: {  	(tag) =	ssettag $0x2  }
0x50: {  	s0 =	rddreg [dreg:$0x0];
	s2 =	stileid.u32  }
0x51: {  	s1 =	rddreg [dreg:$0x1];
	p0 =	sne.s32 s2, $0x0  }
0x52: {  	s3 =	rddreg [dreg:$0x2];
	[bflag:$0x3] =	sbarrier.arrive $0xFFFF;
	s2 =	simm.s32 @!p0 $0x1C01  }
0x53: {  	[timem:s3], [sflag:s2] =	dma.local @!p0 [hbm:s0], s1  }
0x54: {  	s0 =	simm.s32 @!p0 $0x1  }
0x55: {  	_ =	swait.ge @!p0 [sflag:s0], s1  }
0x56: {  	s1 =	ssub.s32 @!p0 $0x0, s1;
	[sflag:s0] =	ssyncset.done @!p0 $0x0  }
0x57: {  	[sflag:s0] =	ssyncadd.s32 @!p0 s1  }
0x58: {  	[bflag:$0x3] =	sbarrier.arrive $0xFFFF  }
0x59: {  	_ =	shalt  }

</sc_bundles>
